<compile_context>
chip_gen: v7x
topology: tpu7x:2x2x1
jax: 0.10.2.dev20260603
libtpu: 0.0.44.dev20260713+nightly
codegen_flags: <defaults>
</compile_context>

<pallas_src>
import functools

import jax
import jax.numpy as jnp
from jax import lax
from jax.experimental import pallas as pl
from jax.experimental.pallas import tpu as pltpu
from jax.experimental.pallas import tpu_sc as plsc

B = 8
N = 2048
C = 3
K = 30
KP = 32
RB = 256

NEG = float("-inf")


def _topk_body(xt_ref, x_ref, idx_ref):
    xtb = xt_ref[0]
    xb = x_ref[0]
    xj0 = xb[0:1, :]
    xj1 = xb[1:2, :]
    xj2 = xb[2:3, :]
    xx_j = xj0 * xj0 + xj1 * xj1 + xj2 * xj2
    xi0 = xtb[:, 0:1]
    xi1 = xtb[:, 1:2]
    xi2 = xtb[:, 2:3]
    xx_i = xi0 * xi0 + xi1 * xi1 + xi2 * xi2
    inner = -2.0 * lax.dot_general(
        xtb.astype(jnp.bfloat16),
        xb.astype(jnp.bfloat16),
        (((1,), (0,)), ((), ())),
        preferred_element_type=jnp.float32,
    )
    d = -xx_i - inner - xx_j

    NC = 8
    W = N // NC
    iota_p = lax.broadcasted_iota(jnp.int32, (RB, W), 1)
    vals = [d[:, c * W : (c + 1) * W] for c in range(NC)]
    cid = [jnp.full((RB, W), c, jnp.int32) for c in range(NC)]

    network = [
        (0, 1), (2, 3), (4, 5), (6, 7),
        (0, 2), (1, 3), (1, 2),
        (4, 6), (5, 7), (5, 6),
        (0, 4), (1, 5), (2, 6), (3, 7),
        (2, 4), (3, 5),
        (1, 2), (3, 4), (5, 6),
    ]
    for i, k in network:
        vi, vk = vals[i], vals[k]
        ci, ck = cid[i], cid[k]
        sw = (vk > vi) | ((vk == vi) & (ck < ci))
        vals[i] = jnp.where(sw, vk, vi)
        vals[k] = jnp.where(sw, vi, vk)
        cid[i] = jnp.where(sw, ck, ci)
        cid[k] = jnp.where(sw, ci, ck)

    packed = cid[0]
    for lvl in range(1, NC):
        packed = packed | (cid[lvl] << (4 * lvl))

    BIG = jnp.float32(1 << 30)
    iota_f = iota_p.astype(jnp.float32)
    cols = []
    for _ in range(K):
        top = vals[0]
        gid0 = (packed & 7).astype(jnp.float32) * float(W) + iota_f
        m = jnp.max(top, axis=1, keepdims=True)
        cand = jnp.where(top == m, gid0, BIG)
        gf = jnp.min(cand, axis=1, keepdims=True)
        cols.append(gf)
        pm = cand == gf
        for lvl in range(NC - 1):
            vals[lvl] = jnp.where(pm, vals[lvl + 1], vals[lvl])
        vals[NC - 1] = jnp.where(pm, NEG, vals[NC - 1])
        packed = jnp.where(pm, lax.shift_right_logical(packed, 4), packed)
    cols.append(jnp.zeros((RB, 1), jnp.float32))
    cols.append(jnp.zeros((RB, 1), jnp.float32))
    idx_ref[0] = jnp.concatenate(cols, axis=1).astype(jnp.int32)


def _topk_indices(xt, x):
    return pl.pallas_call(
        _topk_body,
        grid=(B, N // RB),
        in_specs=[
            pl.BlockSpec((1, RB, C), lambda b, r: (b, r, 0)),
            pl.BlockSpec((1, C, N), lambda b, r: (b, 0, 0)),
        ],
        out_specs=pl.BlockSpec((1, RB, KP), lambda b, r: (b, r, 0)),
        out_shape=jax.ShapeDtypeStruct((B, N, KP), jnp.int32),
        compiler_params=pltpu.CompilerParams(
            dimension_semantics=("parallel", "parallel"),
        ),
    )(xt, x)


NW = 32
ROWS_W = B * N // NW
CH = 64
W_PER_B = N // ROWS_W


def _sc_feature_kernel(x_hbm, idx_hbm, out_hbm, tab0, tab1, tab2, idxv, outv, sem):
    del sem
    wid = lax.axis_index("s") * 2 + lax.axis_index("c")
    b = wid // W_PER_B
    rbase = (wid % W_PER_B) * ROWS_W
    pltpu.sync_copy(x_hbm.at[pl.ds((b * 3 + 0) * N, N)], tab0)
    pltpu.sync_copy(x_hbm.at[pl.ds((b * 3 + 1) * N, N)], tab1)
    pltpu.sync_copy(x_hbm.at[pl.ds((b * 3 + 2) * N, N)], tab2)

    def chunk(ci, carry):
        base = rbase + ci * CH
        gbase = b * N + base
        pltpu.sync_copy(idx_hbm.at[pl.ds(gbase, CH)], idxv)

        def row(r, carry2):
            ctr = jnp.broadcast_to(base + r, (16,))
            cxv = plsc.load_gather(tab0, [ctr])
            cyv = plsc.load_gather(tab1, [ctr])
            czv = plsc.load_gather(tab2, [ctr])
            for h in range(KP // 16):
                nb = idxv[r, pl.ds(16 * h, 16)]
                gx = plsc.load_gather(tab0, [nb])
                gy = plsc.load_gather(tab1, [nb])
                gz = plsc.load_gather(tab2, [nb])
                rx = gx - cxv
                ry = gy - cyv
                rz = gz - czv
                sq = rx * rx + ry * ry + rz * rz
                bits = lax.bitcast_convert_type(sq, jnp.int32)
                y = lax.bitcast_convert_type(
                    jnp.full((16,), 0x5F3759DF, jnp.int32)
                    - lax.shift_right_arithmetic(bits, 1),
                    jnp.float32,
                )
                for _ in range(3):
                    y = y * (1.5 - 0.5 * sq * y * y)
                rn = sq * y + 1e-08
                sl = pl.ds(16 * h, 16)
                outv[r, 0, sl] = rx
                outv[r, 1, sl] = ry
                outv[r, 2, sl] = rz
                outv[r, 3, sl] = rx / rn
                outv[r, 4, sl] = ry / rn
                outv[r, 5, sl] = rz / rn
                outv[r, 6, sl] = cxv
                outv[r, 7, sl] = cyv
                outv[r, 8, sl] = czv
            return carry2

        lax.fori_loop(0, CH, row, 0)
        pltpu.sync_copy(outv, out_hbm.at[pl.ds(gbase, CH)])
        return carry

    lax.fori_loop(0, ROWS_W // CH, chunk, 0)


def _sc_features(x, idx):
    mesh = plsc.VectorSubcoreMesh(core_axis_name="c", subcore_axis_name="s")
    kfn = functools.partial(
        pl.kernel,
        mesh=mesh,
        out_type=jax.ShapeDtypeStruct((B * N, 9, KP), jnp.float32),
        scratch_types=[
            pltpu.VMEM((N,), jnp.float32),
            pltpu.VMEM((N,), jnp.float32),
            pltpu.VMEM((N,), jnp.float32),
            pltpu.VMEM((CH, KP), jnp.int32),
            pltpu.VMEM((CH, 9, KP), jnp.float32),
            pltpu.SemaphoreType.DMA,
        ],
        compiler_params=pltpu.CompilerParams(
            needs_layout_passes=False, use_tc_tiling_on_sc=False
        ),
    )(_sc_feature_kernel)
    return kfn(x.reshape(B * 3 * N), idx.reshape(B * N, KP)).reshape(B, N, 9, KP)


def kernel(x):
    xt = jnp.transpose(x, (0, 2, 1))
    idx = _topk_indices(xt, x)
    feats = _sc_features(x, idx)
    ft = jnp.transpose(feats, (0, 2, 1, 3))
    f2 = ft[:, :, :, :30]
    f1 = ft[:, :, :, :20]
    f0 = jnp.concatenate((ft[:, 0:3, :, :5], ft[:, 6:9, :, :5]), axis=1)
    return (f0, f1, f2)

# --- scband reference (transcript-rebuilt; emitter-appended) ---
"""Pipeline reference for scband-ms-dgcnn2-ablation-81870666596736 (READ-ONLY COPY).

The authoritative reference and input builder live on the scoring server;
editing this copy changes nothing except your own understanding.
"""

import jax, jax.numpy as jnp
import numpy as np

K_SCALES = (5, 20, 30)
LOCAL_USE_NORMALIZED = False
USE_NORMALIZED = True
BRANCH_FEATURE_MODE = 'full'


def setup_inputs(seed: int = 0) -> dict:
    key = jax.random.key(seed)
    x = jax.random.normal(key, (8, 3, 2048), dtype=jnp.float32)
    return {"x": x}


def _gather_neighbors(xt, idx):
    # xt: [B, N, C], idx: [B, N, k] -> [B, N, k, C]
    return jax.vmap(lambda xb, ib: xb[ib])(xt, idx)


def reference(x):
    # x: [B, 3, N] point cloud. Faithful port of
    # get_hierarchical_graph_feature (the kNN retrieval + multi-scale
    # graph-feature core of MS_DGCNN2_Ablation.forward).
    B, C, N = x.shape
    xt = jnp.transpose(x, (0, 2, 1))  # [B, N, C]
    inner = -2.0 * jnp.matmul(xt, x)  # [B, N, N]
    xx = jnp.sum(x ** 2, axis=1, keepdims=True)  # [B, 1, N]
    pairwise_distance = -xx - inner - jnp.transpose(xx, (0, 2, 1))  # [B, N, N]
    feats = []
    for scale_idx, k in enumerate(K_SCALES):
        _, idx = jax.lax.top_k(pairwise_distance, k)  # [B, N, k]
        neighbor = _gather_neighbors(xt, idx)  # [B, N, k, C]
        center = jnp.broadcast_to(xt[:, :, None, :], (B, N, k, C))
        relative = neighbor - center
        if scale_idx == 0:
            if LOCAL_USE_NORMALIZED:
                rn = jnp.linalg.norm(relative, axis=3, keepdims=True) + 1e-08
                scale_features = jnp.concatenate((relative, relative / rn, center), axis=3)
            else:
                scale_features = jnp.concatenate((relative, center), axis=3)
        elif BRANCH_FEATURE_MODE == 'normalized_only':
            rn = jnp.linalg.norm(relative, axis=3, keepdims=True) + 1e-08
            scale_features = relative / rn
        elif USE_NORMALIZED:
            rn = jnp.linalg.norm(relative, axis=3, keepdims=True) + 1e-08
            scale_features = jnp.concatenate((relative, relative / rn, center), axis=3)
        else:
            scale_features = jnp.concatenate((relative, center), axis=3)
        feats.append(jnp.transpose(scale_features, (0, 3, 1, 2)))  # [B, Cf, N, k]
    return tuple(feats)

if __name__ == "__main__":
    import jax
    _d = setup_inputs()
    print(jax.jit(kernel)(*tuple(_d.values())))

</pallas_src>

<mosaic_0001>
#map = affine_map<(d0, d1) -> (0)>
#map1 = affine_map<(d0, d1) -> (0, 0)>
#map2 = affine_map<(d0, d1) -> (0, 0, 0)>
module attributes {stable_mosaic.version = 14 : i64} {
  func.func @_sc_feature_kernel(%arg0: i32, %arg1: i32, %arg2: memref<49152xf32, #tpu.memory_space<hbm>>, %arg3: memref<16384x32xi32, #tpu.memory_space<hbm>>, %arg4: memref<16384x9x32xf32, #tpu.memory_space<hbm>>, %arg5: memref<2048xf32, #tpu.memory_space<vmem>>, %arg6: memref<2048xf32, #tpu.memory_space<vmem>>, %arg7: memref<2048xf32, #tpu.memory_space<vmem>>, %arg8: memref<64x32xi32, #tpu.memory_space<vmem>>, %arg9: memref<64x9x32xf32, #tpu.memory_space<vmem>>, %arg10: memref<!tpu.dma_semaphore, #tpu.memory_space<semaphore_mem>>) attributes {dimension_semantics = [#tpu.dimension_semantics<core_parallel>, #tpu.dimension_semantics<subcore_parallel>], iteration_bounds = array<i64: 2, 16>, scalar_prefetch = 0 : i64, scratch_operands = 6 : i64, tpu.core_type = #tpu.core_type<sc_vector_subcore>, window_params = [{transform_indices = #map}, {transform_indices = #map1}, {transform_indices = #map2}]} {
    %mul3A = arith.constant 2 : i32
    %mul3A_0 = arith.muli %arg1, %mul3A : i32
    %add3A = arith.addi %mul3A_0, %arg0 : i32
    %jit3A = arith.constant 4 : i32
    %div3A = arith.divsi %add3A, %jit3A : i32
    %sign3A = arith.constant 0 : i32
    %sign3A_1 = arith.cmpi sgt, %add3A, %sign3A : i32
    %sign3A_2 = arith.extui %sign3A_1 : i1 to i32
    %sign3A_3 = arith.constant 0 : i32
    %sign3A_4 = arith.cmpi slt, %add3A, %sign3A_3 : i32
    %sign3A_5 = arith.extui %sign3A_4 : i1 to i32
    %sign3A_6 = arith.subi %sign3A_2, %sign3A_5 : i32
    %sign3A_7 = arith.constant 0 : i32
    %sign3A_8 = arith.cmpi sgt, %jit3A, %sign3A_7 : i32
    %sign3A_9 = arith.extui %sign3A_8 : i1 to i32
    %sign3A_10 = arith.constant 0 : i32
    %sign3A_11 = arith.cmpi slt, %jit3A, %sign3A_10 : i32
    %sign3A_12 = arith.extui %sign3A_11 : i1 to i32
    %sign3A_13 = arith.subi %sign3A_9, %sign3A_12 : i32
    %ne3A = arith.cmpi ne, %sign3A_6, %sign3A_13 : i32
    %rem3A = arith.remsi %add3A, %jit3A : i32
    %ne3A_14 = arith.constant 0 : i32
    %ne3A_15 = arith.cmpi ne, %rem3A, %ne3A_14 : i32
    %and3A = arith.andi %ne3A, %ne3A_15 : i1
    %sub3A = arith.constant 1 : i32
    %sub3A_16 = arith.subi %div3A, %sub3A : i32
    %select_n3A = arith.select %and3A, %sub3A_16, %div3A : i32
    %jit3A_17 = arith.constant 4 : i32
    %eq3A = arith.constant 0 : i32
    %eq3A_18 = arith.cmpi eq, %jit3A_17, %eq3A : i32
    %jit3A_19 = arith.constant 1 : i32
    %select_n3A_20 = arith.select %eq3A_18, %jit3A_19, %jit3A_17 : i32
    %rem3A_21 = arith.remsi %add3A, %select_n3A_20 : i32
    %ne3A_22 = arith.constant 0 : i32
    %ne3A_23 = arith.cmpi ne, %rem3A_21, %ne3A_22 : i32
    %lt3A = arith.constant 0 : i32
    %lt3A_24 = arith.cmpi slt, %rem3A_21, %lt3A : i32
    %lt3A_25 = arith.constant 0 : i32
    %lt3A_26 = arith.cmpi slt, %select_n3A_20, %lt3A_25 : i32
    %ne3A_27 = arith.xori %lt3A_24, %lt3A_26 : i1
    %and3A_28 = arith.andi %ne3A_27, %ne3A_23 : i1
    %add3A_29 = arith.addi %rem3A_21, %select_n3A_20 : i32
    %select_n3A_30 = arith.select %and3A_28, %add3A_29, %rem3A_21 : i32
    %mul3A_31 = arith.constant 512 : i32
    %mul3A_32 = arith.muli %select_n3A_30, %mul3A_31 : i32
    %mul3A_33 = arith.constant 3 : i32
    %mul3A_34 = arith.muli %select_n3A, %mul3A_33 : i32
    %add3A_35 = arith.constant 0 : i32
    %add3A_36 = arith.addi %mul3A_34, %add3A_35 : i32
    %mul3A_37 = arith.constant 2048 : i32
    %mul3A_38 = arith.muli %add3A_36, %mul3A_37 : i32
    "tpu.region"() ({
      %run_scoped3A = tpu.sem_alloc : memref<!tpu.dma_semaphore, #tpu.memory_space<semaphore_mem>>
      %dma_start3A = tpu.memref_slice %arg2[%mul3A_38] : memref<49152xf32, #tpu.memory_space<hbm>> -> memref<2048xf32, #tpu.memory_space<hbm>>
      %dma_start3A_56 = tpu.memref_slice %arg2[%mul3A_38] : memref<49152xf32, #tpu.memory_space<hbm>> -> memref<2048xf32, #tpu.memory_space<hbm>>
      tpu.enqueue_dma source(%dma_start3A_56 : memref<2048xf32, #tpu.memory_space<hbm>>) target(%arg5 : memref<2048xf32, #tpu.memory_space<vmem>>) target_semaphore(%run_scoped3A : memref<!tpu.dma_semaphore, #tpu.memory_space<semaphore_mem>>)
      %dma_wait3A = tpu.memref_slice %arg2[%mul3A_38] : memref<49152xf32, #tpu.memory_space<hbm>> -> memref<2048xf32, #tpu.memory_space<hbm>>
      %dma_wait3A_57 = tpu.memref_slice %arg2[%mul3A_38] : memref<49152xf32, #tpu.memory_space<hbm>> -> memref<2048xf32, #tpu.memory_space<hbm>>
      tpu.wait_dma2 semaphore(%run_scoped3A : memref<!tpu.dma_semaphore, #tpu.memory_space<semaphore_mem>>) src(%dma_wait3A_57 : memref<2048xf32, #tpu.memory_space<hbm>>) dst(%arg5 : memref<2048xf32, #tpu.memory_space<vmem>>)
      tpu.yield
    }) : () -> ()
    %mul3A_39 = arith.constant 3 : i32
    %mul3A_40 = arith.muli %select_n3A, %mul3A_39 : i32
    %add3A_41 = arith.constant 1 : i32
    %add3A_42 = arith.addi %mul3A_40, %add3A_41 : i32
    %mul3A_43 = arith.constant 2048 : i32
    %mul3A_44 = arith.muli %add3A_42, %mul3A_43 : i32
    "tpu.region"() ({
      %run_scoped3A = tpu.sem_alloc : memref<!tpu.dma_semaphore, #tpu.memory_space<semaphore_mem>>
      %dma_start3A = tpu.memref_slice %arg2[%mul3A_44] : memref<49152xf32, #tpu.memory_space<hbm>> -> memref<2048xf32, #tpu.memory_space<hbm>>
      %dma_start3A_56 = tpu.memref_slice %arg2[%mul3A_44] : memref<49152xf32, #tpu.memory_space<hbm>> -> memref<2048xf32, #tpu.memory_space<hbm>>
      tpu.enqueue_dma source(%dma_start3A_56 : memref<2048xf32, #tpu.memory_space<hbm>>) target(%arg6 : memref<2048xf32, #tpu.memory_space<vmem>>) target_semaphore(%run_scoped3A : memref<!tpu.dma_semaphore, #tpu.memory_space<semaphore_mem>>)
      %dma_wait3A = tpu.memref_slice %arg2[%mul3A_44] : memref<49152xf32, #tpu.memory_space<hbm>> -> memref<2048xf32, #tpu.memory_space<hbm>>
      %dma_wait3A_57 = tpu.memref_slice %arg2[%mul3A_44] : memref<49152xf32, #tpu.memory_space<hbm>> -> memref<2048xf32, #tpu.memory_space<hbm>>
      tpu.wait_dma2 semaphore(%run_scoped3A : memref<!tpu.dma_semaphore, #tpu.memory_space<semaphore_mem>>) src(%dma_wait3A_57 : memref<2048xf32, #tpu.memory_space<hbm>>) dst(%arg6 : memref<2048xf32, #tpu.memory_space<vmem>>)
      tpu.yield
    }) : () -> ()
    %mul3A_45 = arith.constant 3 : i32
    %mul3A_46 = arith.muli %select_n3A, %mul3A_45 : i32
    %add3A_47 = arith.constant 2 : i32
    %add3A_48 = arith.addi %mul3A_46, %add3A_47 : i32
    %mul3A_49 = arith.constant 2048 : i32
    %mul3A_50 = arith.muli %add3A_48, %mul3A_49 : i32
    "tpu.region"() ({
      %run_scoped3A = tpu.sem_alloc : memref<!tpu.dma_semaphore, #tpu.memory_space<semaphore_mem>>
      %dma_start3A = tpu.memref_slice %arg2[%mul3A_50] : memref<49152xf32, #tpu.memory_space<hbm>> -> memref<2048xf32, #tpu.memory_space<hbm>>
      %dma_start3A_56 = tpu.memref_slice %arg2[%mul3A_50] : memref<49152xf32, #tpu.memory_space<hbm>> -> memref<2048xf32, #tpu.memory_space<hbm>>
      tpu.enqueue_dma source(%dma_start3A_56 : memref<2048xf32, #tpu.memory_space<hbm>>) target(%arg7 : memref<2048xf32, #tpu.memory_space<vmem>>) target_semaphore(%run_scoped3A : memref<!tpu.dma_semaphore, #tpu.memory_space<semaphore_mem>>)
      %dma_wait3A = tpu.memref_slice %arg2[%mul3A_50] : memref<49152xf32, #tpu.memory_space<hbm>> -> memref<2048xf32, #tpu.memory_space<hbm>>
      %dma_wait3A_57 = tpu.memref_slice %arg2[%mul3A_50] : memref<49152xf32, #tpu.memory_space<hbm>> -> memref<2048xf32, #tpu.memory_space<hbm>>
      tpu.wait_dma2 semaphore(%run_scoped3A : memref<!tpu.dma_semaphore, #tpu.memory_space<semaphore_mem>>) src(%dma_wait3A_57 : memref<2048xf32, #tpu.memory_space<hbm>>) dst(%arg7 : memref<2048xf32, #tpu.memory_space<vmem>>)
      tpu.yield
    }) : () -> ()
    %scan3A = arith.constant 0 : i32
    %scan3A_51 = arith.constant 0 : i32
    %scan3A_52 = arith.constant 8 : i32
    %scan3A_53 = arith.addi %scan3A_51, %scan3A_52 : i32
    %scan3A_54 = arith.constant 1 : i32
    scf.for %scan3A_56 = %scan3A_51 to %scan3A_53 step %scan3A_54  : i32 {
      %mul3A_57 = arith.constant 64 : i32
      %mul3A_58 = arith.muli %scan3A_56, %mul3A_57 : i32
      %add3A_59 = arith.addi %mul3A_32, %mul3A_58 : i32
      %mul3A_60 = arith.constant 2048 : i32
      %mul3A_61 = arith.muli %select_n3A, %mul3A_60 : i32
      %add3A_62 = arith.addi %mul3A_61, %add3A_59 : i32
      "tpu.region"() ({
        %run_scoped3A = tpu.sem_alloc : memref<!tpu.dma_semaphore, #tpu.memory_space<semaphore_mem>>
        %dma_start3A = arith.constant 0 : i32
        %dma_start3A_69 = tpu.memref_slice %arg3[%add3A_62, %dma_start3A] : memref<16384x32xi32, #tpu.memory_space<hbm>> -> memref<64x32xi32, #tpu.memory_space<hbm>>
        %dma_start3A_70 = arith.constant 0 : i32
        %dma_start3A_71 = tpu.memref_slice %arg3[%add3A_62, %dma_start3A_70] : memref<16384x32xi32, #tpu.memory_space<hbm>> -> memref<64x32xi32, #tpu.memory_space<hbm>>
        tpu.enqueue_dma source(%dma_start3A_71 : memref<64x32xi32, #tpu.memory_space<hbm>>) target(%arg8 : memref<64x32xi32, #tpu.memory_space<vmem>>) target_semaphore(%run_scoped3A : memref<!tpu.dma_semaphore, #tpu.memory_space<semaphore_mem>>)
        %dma_wait3A = arith.constant 0 : i32
        %dma_wait3A_72 = tpu.memref_slice %arg3[%add3A_62, %dma_wait3A] : memref<16384x32xi32, #tpu.memory_space<hbm>> -> memref<64x32xi32, #tpu.memory_space<hbm>>
        %dma_wait3A_73 = arith.constant 0 : i32
        %dma_wait3A_74 = tpu.memref_slice %arg3[%add3A_62, %dma_wait3A_73] : memref<16384x32xi32, #tpu.memory_space<hbm>> -> memref<64x32xi32, #tpu.memory_space<hbm>>
        tpu.wait_dma2 semaphore(%run_scoped3A : memref<!tpu.dma_semaphore, #tpu.memory_space<semaphore_mem>>) src(%dma_wait3A_74 : memref<64x32xi32, #tpu.memory_space<hbm>>) dst(%arg8 : memref<64x32xi32, #tpu.memory_space<vmem>>)
        tpu.yield
      }) : () -> ()
      %scan3A_63 = arith.constant 0 : i32
      %scan3A_64 = arith.constant 0 : i32
      %scan3A_65 = arith.constant 64 : i32
      %scan3A_66 = arith.addi %scan3A_64, %scan3A_65 : i32
      %scan3A_67 = arith.constant 1 : i32
      scf.for %scan3A_69 = %scan3A_64 to %scan3A_66 step %scan3A_67  : i32 {
        %add3A_70 = arith.addi %add3A_59, %scan3A_69 : i32
        %broadcast_in_dim3A = vector.broadcast %add3A_70 : i32 to vector<16xi32>
        %gather3A = tpu.vector_load_idx %arg5[%broadcast_in_dim3A] : memref<2048xf32, #tpu.memory_space<vmem>>[vector<16xi32>], vector<16xf32>,
        %gather3A_71 = tpu.vector_load_idx %arg6[%broadcast_in_dim3A] : memref<2048xf32, #tpu.memory_space<vmem>>[vector<16xi32>], vector<16xf32>,
        %gather3A_72 = tpu.vector_load_idx %arg7[%broadcast_in_dim3A] : memref<2048xf32, #tpu.memory_space<vmem>>[vector<16xi32>], vector<16xf32>,
        %get3A = arith.index_cast %scan3A_69 : i32 to index
        %get3A_73 = arith.constant 0 : index
        %get3A_74 = tpu.vector_load %arg8[%get3A, %get3A_73] {strides = array<i32>} : memref<64x32xi32, #tpu.memory_space<vmem>>, vector<16xi32>,
        %gather3A_75 = tpu.vector_load_idx %arg5[%get3A_74] : memref<2048xf32, #tpu.memory_space<vmem>>[vector<16xi32>], vector<16xf32>,
        %gather3A_76 = tpu.vector_load_idx %arg6[%get3A_74] : memref<2048xf32, #tpu.memory_space<vmem>>[vector<16xi32>], vector<16xf32>,
        %gather3A_77 = tpu.vector_load_idx %arg7[%get3A_74] : memref<2048xf32, #tpu.memory_space<vmem>>[vector<16xi32>], vector<16xf32>,
        %sub3A_78 = arith.subf %gather3A_75, %gather3A : vector<16xf32>
        %sub3A_79 = arith.subf %gather3A_76, %gather3A_71 : vector<16xf32>
        %sub3A_80 = arith.subf %gather3A_77, %gather3A_72 : vector<16xf32>
        %mul3A_81 = arith.mulf %sub3A_78, %sub3A_78 : vector<16xf32>
        %mul3A_82 = arith.mulf %sub3A_79, %sub3A_79 : vector<16xf32>
        %add3A_83 = arith.addf %mul3A_81, %mul3A_82 : vector<16xf32>
        %mul3A_84 = arith.mulf %sub3A_80, %sub3A_80 : vector<16xf32>
        %add3A_85 = arith.addf %add3A_83, %mul3A_84 : vector<16xf32>
        %bitcast_convert_type3A = tpu.bitcast %add3A_85 : vector<16xf32> -> vector<16xi32>
        %broadcast_in_dim3A_86 = arith.constant 1597463007 : i32
        %broadcast_in_dim3A_87 = vector.broadcast %broadcast_in_dim3A_86 : i32 to vector<16xi32>
        %shift_right_arithmetic3A = arith.constant 1 : i32
        %shift_right_arithmetic3A_88 = vector.broadcast %shift_right_arithmetic3A : i32 to vector<16xi32>
        %shift_right_arithmetic3A_89 = arith.shrsi %bitcast_convert_type3A, %shift_right_arithmetic3A_88 : vector<16xi32>
        %sub3A_90 = arith.subi %broadcast_in_dim3A_87, %shift_right_arithmetic3A_89 : vector<16xi32>
        %bitcast_convert_type3A_91 = tpu.bitcast %sub3A_90 : vector<16xi32> -> vector<16xf32>
        %mul3A_92 = arith.constant 5.000000e-01 : f32
        %mul3A_93 = vector.broadcast %mul3A_92 : f32 to vector<16xf32>
        %mul3A_94 = arith.mulf %mul3A_93, %add3A_85 : vector<16xf32>
        %mul3A_95 = arith.mulf %mul3A_94, %bitcast_convert_type3A_91 : vector<16xf32>
        %mul3A_96 = arith.mulf %mul3A_95, %bitcast_convert_type3A_91 : vector<16xf32>
        %sub3A_97 = arith.constant 1.500000e+00 : f32
        %sub3A_98 = vector.broadcast %sub3A_97 : f32 to vector<16xf32>
        %sub3A_99 = arith.subf %sub3A_98, %mul3A_96 : vector<16xf32>
        %mul3A_100 = arith.mulf %bitcast_convert_type3A_91, %sub3A_99 : vector<16xf32>
        %mul3A_101 = arith.constant 5.000000e-01 : f32
        %mul3A_102 = vector.broadcast %mul3A_101 : f32 to vector<16xf32>
        %mul3A_103 = arith.mulf %mul3A_102, %add3A_85 : vector<16xf32>
        %mul3A_104 = arith.mulf %mul3A_103, %mul3A_100 : vector<16xf32>
        %mul3A_105 = arith.mulf %mul3A_104, %mul3A_100 : vector<16xf32>
        %sub3A_106 = arith.constant 1.500000e+00 : f32
        %sub3A_107 = vector.broadcast %sub3A_106 : f32 to vector<16xf32>
        %sub3A_108 = arith.subf %sub3A_107, %mul3A_105 : vector<16xf32>
        %mul3A_109 = arith.mulf %mul3A_100, %sub3A_108 : vector<16xf32>
        %mul3A_110 = arith.constant 5.000000e-01 : f32
        %mul3A_111 = vector.broadcast %mul3A_110 : f32 to vector<16xf32>
        %mul3A_112 = arith.mulf %mul3A_111, %add3A_85 : vector<16xf32>
        %mul3A_113 = arith.mulf %mul3A_112, %mul3A_109 : vector<16xf32>
        %mul3A_114 = arith.mulf %mul3A_113, %mul3A_109 : vector<16xf32>
        %sub3A_115 = arith.constant 1.500000e+00 : f32
        %sub3A_116 = vector.broadcast %sub3A_115 : f32 to vector<16xf32>
        %sub3A_117 = arith.subf %sub3A_116, %mul3A_114 : vector<16xf32>
        %mul3A_118 = arith.mulf %mul3A_109, %sub3A_117 : vector<16xf32>
        %mul3A_119 = arith.mulf %add3A_85, %mul3A_118 : vector<16xf32>
        %add3A_120 = arith.constant 9.99999993E-9 : f32
        %add3A_121 = vector.broadcast %add3A_120 : f32 to vector<16xf32>
        %add3A_122 = arith.addf %mul3A_119, %add3A_121 : vector<16xf32>
        %swap3A = arith.constant 0 : i32
        %swap3A_123 = arith.index_cast %scan3A_69 : i32 to index
        %swap3A_124 = arith.index_cast %swap3A : i32 to index
        %swap3A_125 = arith.constant 0 : index
        %swap3A_126 = tpu.vector_load %arg9[%swap3A_123, %swap3A_124, %swap3A_125] {strides = array<i32>} : memref<64x9x32xf32, #tpu.memory_space<vmem>>, vector<16xf32>,
        tpu.vector_store %arg9[%swap3A_123, %swap3A_124, %swap3A_125], %sub3A_78 {strides = array<i32>} : memref<64x9x32xf32, #tpu.memory_space<vmem>>, vector<16xf32>,
        %swap3A_127 = arith.constant 1 : i32
        %swap3A_128 = arith.index_cast %scan3A_69 : i32 to index
        %swap3A_129 = arith.index_cast %swap3A_127 : i32 to index
        %swap3A_130 = arith.constant 0 : index
        %swap3A_131 = tpu.vector_load %arg9[%swap3A_128, %swap3A_129, %swap3A_130] {strides = array<i32>} : memref<64x9x32xf32, #tpu.memory_space<vmem>>, vector<16xf32>,
        tpu.vector_store %arg9[%swap3A_128, %swap3A_129, %swap3A_130], %sub3A_79 {strides = array<i32>} : memref<64x9x32xf32, #tpu.memory_space<vmem>>, vector<16xf32>,
        %swap3A_132 = arith.constant 2 : i32
        %swap3A_133 = arith.index_cast %scan3A_69 : i32 to index
        %swap3A_134 = arith.index_cast %swap3A_132 : i32 to index
        %swap3A_135 = arith.constant 0 : index
        %swap3A_136 = tpu.vector_load %arg9[%swap3A_133, %swap3A_134, %swap3A_135] {strides = array<i32>} : memref<64x9x32xf32, #tpu.memory_space<vmem>>, vector<16xf32>,
        tpu.vector_store %arg9[%swap3A_133, %swap3A_134, %swap3A_135], %sub3A_80 {strides = array<i32>} : memref<64x9x32xf32, #tpu.memory_space<vmem>>, vector<16xf32>,
        %div3A_137 = arith.divf %sub3A_78, %add3A_122 : vector<16xf32>
        %swap3A_138 = arith.constant 3 : i32
        %swap3A_139 = arith.index_cast %scan3A_69 : i32 to index
        %swap3A_140 = arith.index_cast %swap3A_138 : i32 to index
        %swap3A_141 = arith.constant 0 : index
        %swap3A_142 = tpu.vector_load %arg9[%swap3A_139, %swap3A_140, %swap3A_141] {strides = array<i32>} : memref<64x9x32xf32, #tpu.memory_space<vmem>>, vector<16xf32>,
        tpu.vector_store %arg9[%swap3A_139, %swap3A_140, %swap3A_141], %div3A_137 {strides = array<i32>} : memref<64x9x32xf32, #tpu.memory_space<vmem>>, vector<16xf32>,
        %div3A_143 = arith.divf %sub3A_79, %add3A_122 : vector<16xf32>
        %swap3A_144 = arith.constant 4 : i32
        %swap3A_145 = arith.index_cast %scan3A_69 : i32 to index
        %swap3A_146 = arith.index_cast %swap3A_144 : i32 to index
        %swap3A_147 = arith.constant 0 : index
        %swap3A_148 = tpu.vector_load %arg9[%swap3A_145, %swap3A_146, %swap3A_147] {strides = array<i32>} : memref<64x9x32xf32, #tpu.memory_space<vmem>>, vector<16xf32>,
        tpu.vector_store %arg9[%swap3A_145, %swap3A_146, %swap3A_147], %div3A_143 {strides = array<i32>} : memref<64x9x32xf32, #tpu.memory_space<vmem>>, vector<16xf32>,
        %div3A_149 = arith.divf %sub3A_80, %add3A_122 : vector<16xf32>
        %swap3A_150 = arith.constant 5 : i32
        %swap3A_151 = arith.index_cast %scan3A_69 : i32 to index
        %swap3A_152 = arith.index_cast %swap3A_150 : i32 to index
        %swap3A_153 = arith.constant 0 : index
        %swap3A_154 = tpu.vector_load %arg9[%swap3A_151, %swap3A_152, %swap3A_153] {strides = array<i32>} : memref<64x9x32xf32, #tpu.memory_space<vmem>>, vector<16xf32>,
        tpu.vector_store %arg9[%swap3A_151, %swap3A_152, %swap3A_153], %div3A_149 {strides = array<i32>} : memref<64x9x32xf32, #tpu.memory_space<vmem>>, vector<16xf32>,
        %swap3A_155 = arith.constant 6 : i32
        %swap3A_156 = arith.index_cast %scan3A_69 : i32 to index
        %swap3A_157 = arith.index_cast %swap3A_155 : i32 to index
        %swap3A_158 = arith.constant 0 : index
        %swap3A_159 = tpu.vector_load %arg9[%swap3A_156, %swap3A_157, %swap3A_158] {strides = array<i32>} : memref<64x9x32xf32, #tpu.memory_space<vmem>>, vector<16xf32>,
        tpu.vector_store %arg9[%swap3A_156, %swap3A_157, %swap3A_158], %gather3A {strides = array<i32>} : memref<64x9x32xf32, #tpu.memory_space<vmem>>, vector<16xf32>,
        %swap3A_160 = arith.constant 7 : i32
        %swap3A_161 = arith.index_cast %scan3A_69 : i32 to index
        %swap3A_162 = arith.index_cast %swap3A_160 : i32 to index
        %swap3A_163 = arith.constant 0 : index
        %swap3A_164 = tpu.vector_load %arg9[%swap3A_161, %swap3A_162, %swap3A_163] {strides = array<i32>} : memref<64x9x32xf32, #tpu.memory_space<vmem>>, vector<16xf32>,
        tpu.vector_store %arg9[%swap3A_161, %swap3A_162, %swap3A_163], %gather3A_71 {strides = array<i32>} : memref<64x9x32xf32, #tpu.memory_space<vmem>>, vector<16xf32>,
        %swap3A_165 = arith.constant 8 : i32
        %swap3A_166 = arith.index_cast %scan3A_69 : i32 to index
        %swap3A_167 = arith.index_cast %swap3A_165 : i32 to index
        %swap3A_168 = arith.constant 0 : index
        %swap3A_169 = tpu.vector_load %arg9[%swap3A_166, %swap3A_167, %swap3A_168] {strides = array<i32>} : memref<64x9x32xf32, #tpu.memory_space<vmem>>, vector<16xf32>,
        tpu.vector_store %arg9[%swap3A_166, %swap3A_167, %swap3A_168], %gather3A_72 {strides = array<i32>} : memref<64x9x32xf32, #tpu.memory_space<vmem>>, vector<16xf32>,
        %get3A_170 = arith.index_cast %scan3A_69 : i32 to index
        %get3A_171 = arith.constant 16 : index
        %get3A_172 = tpu.vector_load %arg8[%get3A_170, %get3A_171] {strides = array<i32>} : memref<64x32xi32, #tpu.memory_space<vmem>>, vector<16xi32>,
        %gather3A_173 = tpu.vector_load_idx %arg5[%get3A_172] : memref<2048xf32, #tpu.memory_space<vmem>>[vector<16xi32>], vector<16xf32>,
        %gather3A_174 = tpu.vector_load_idx %arg6[%get3A_172] : memref<2048xf32, #tpu.memory_space<vmem>>[vector<16xi32>], vector<16xf32>,
        %gather3A_175 = tpu.vector_load_idx %arg7[%get3A_172] : memref<2048xf32, #tpu.memory_space<vmem>>[vector<16xi32>], vector<16xf32>,
        %sub3A_176 = arith.subf %gather3A_173, %gather3A : vector<16xf32>
        %sub3A_177 = arith.subf %gather3A_174, %gather3A_71 : vector<16xf32>
        %sub3A_178 = arith.subf %gather3A_175, %gather3A_72 : vector<16xf32>
        %mul3A_179 = arith.mulf %sub3A_176, %sub3A_176 : vector<16xf32>
        %mul3A_180 = arith.mulf %sub3A_177, %sub3A_177 : vector<16xf32>
        %add3A_181 = arith.addf %mul3A_179, %mul3A_180 : vector<16xf32>
        %mul3A_182 = arith.mulf %sub3A_178, %sub3A_178 : vector<16xf32>
        %add3A_183 = arith.addf %add3A_181, %mul3A_182 : vector<16xf32>
        %bitcast_convert_type3A_184 = tpu.bitcast %add3A_183 : vector<16xf32> -> vector<16xi32>
        %broadcast_in_dim3A_185 = arith.constant 1597463007 : i32
        %broadcast_in_dim3A_186 = vector.broadcast %broadcast_in_dim3A_185 : i32 to vector<16xi32>
        %shift_right_arithmetic3A_187 = arith.constant 1 : i32
        %shift_right_arithmetic3A_188 = vector.broadcast %shift_right_arithmetic3A_187 : i32 to vector<16xi32>
        %shift_right_arithmetic3A_189 = arith.shrsi %bitcast_convert_type3A_184, %shift_right_arithmetic3A_188 : vector<16xi32>
        %sub3A_190 = arith.subi %broadcast_in_dim3A_186, %shift_right_arithmetic3A_189 : vector<16xi32>
        %bitcast_convert_type3A_191 = tpu.bitcast %sub3A_190 : vector<16xi32> -> vector<16xf32>
        %mul3A_192 = arith.constant 5.000000e-01 : f32
        %mul3A_193 = vector.broadcast %mul3A_192 : f32 to vector<16xf32>
        %mul3A_194 = arith.mulf %mul3A_193, %add3A_183 : vector<16xf32>
        %mul3A_195 = arith.mulf %mul3A_194, %bitcast_convert_type3A_191 : vector<16xf32>
        %mul3A_196 = arith.mulf %mul3A_195, %bitcast_convert_type3A_191 : vector<16xf32>
        %sub3A_197 = arith.constant 1.500000e+00 : f32
        %sub3A_198 = vector.broadcast %sub3A_197 : f32 to vector<16xf32>
        %sub3A_199 = arith.subf %sub3A_198, %mul3A_196 : vector<16xf32>
        %mul3A_200 = arith.mulf %bitcast_convert_type3A_191, %sub3A_199 : vector<16xf32>
        %mul3A_201 = arith.constant 5.000000e-01 : f32
        %mul3A_202 = vector.broadcast %mul3A_201 : f32 to vector<16xf32>
        %mul3A_203 = arith.mulf %mul3A_202, %add3A_183 : vector<16xf32>
        %mul3A_204 = arith.mulf %mul3A_203, %mul3A_200 : vector<16xf32>
        %mul3A_205 = arith.mulf %mul3A_204, %mul3A_200 : vector<16xf32>
        %sub3A_206 = arith.constant 1.500000e+00 : f32
        %sub3A_207 = vector.broadcast %sub3A_206 : f32 to vector<16xf32>
        %sub3A_208 = arith.subf %sub3A_207, %mul3A_205 : vector<16xf32>
        %mul3A_209 = arith.mulf %mul3A_200, %sub3A_208 : vector<16xf32>
        %mul3A_210 = arith.constant 5.000000e-01 : f32
        %mul3A_211 = vector.broadcast %mul3A_210 : f32 to vector<16xf32>
        %mul3A_212 = arith.mulf %mul3A_211, %add3A_183 : vector<16xf32>
        %mul3A_213 = arith.mulf %mul3A_212, %mul3A_209 : vector<16xf32>
        %mul3A_214 = arith.mulf %mul3A_213, %mul3A_209 : vector<16xf32>
        %sub3A_215 = arith.constant 1.500000e+00 : f32
        %sub3A_216 = vector.broadcast %sub3A_215 : f32 to vector<16xf32>
        %sub3A_217 = arith.subf %sub3A_216, %mul3A_214 : vector<16xf32>
        %mul3A_218 = arith.mulf %mul3A_209, %sub3A_217 : vector<16xf32>
        %mul3A_219 = arith.mulf %add3A_183, %mul3A_218 : vector<16xf32>
        %add3A_220 = arith.constant 9.99999993E-9 : f32
        %add3A_221 = vector.broadcast %add3A_220 : f32 to vector<16xf32>
        %add3A_222 = arith.addf %mul3A_219, %add3A_221 : vector<16xf32>
        %swap3A_223 = arith.constant 0 : i32
        %swap3A_224 = arith.index_cast %scan3A_69 : i32 to index
        %swap3A_225 = arith.index_cast %swap3A_223 : i32 to index
        %swap3A_226 = arith.constant 16 : index
        %swap3A_227 = tpu.vector_load %arg9[%swap3A_224, %swap3A_225, %swap3A_226] {strides = array<i32>} : memref<64x9x32xf32, #tpu.memory_space<vmem>>, vector<16xf32>,
        tpu.vector_store %arg9[%swap3A_224, %swap3A_225, %swap3A_226], %sub3A_176 {strides = array<i32>} : memref<64x9x32xf32, #tpu.memory_space<vmem>>, vector<16xf32>,
        %swap3A_228 = arith.constant 1 : i32
        %swap3A_229 = arith.index_cast %scan3A_69 : i32 to index
        %swap3A_230 = arith.index_cast %swap3A_228 : i32 to index
        %swap3A_231 = arith.constant 16 : index
        %swap3A_232 = tpu.vector_load %arg9[%swap3A_229, %swap3A_230, %swap3A_231] {strides = array<i32>} : memref<64x9x32xf32, #tpu.memory_space<vmem>>, vector<16xf32>,
        tpu.vector_store %arg9[%swap3A_229, %swap3A_230, %swap3A_231], %sub3A_177 {strides = array<i32>} : memref<64x9x32xf32, #tpu.memory_space<vmem>>, vector<16xf32>,
        %swap3A_233 = arith.constant 2 : i32
        %swap3A_234 = arith.index_cast %scan3A_69 : i32 to index
        %swap3A_235 = arith.index_cast %swap3A_233 : i32 to index
        %swap3A_236 = arith.constant 16 : index
        %swap3A_237 = tpu.vector_load %arg9[%swap3A_234, %swap3A_235, %swap3A_236] {strides = array<i32>} : memref<64x9x32xf32, #tpu.memory_space<vmem>>, vector<16xf32>,
        tpu.vector_store %arg9[%swap3A_234, %swap3A_235, %swap3A_236], %sub3A_178 {strides = array<i32>} : memref<64x9x32xf32, #tpu.memory_space<vmem>>, vector<16xf32>,
        %div3A_238 = arith.divf %sub3A_176, %add3A_222 : vector<16xf32>
        %swap3A_239 = arith.constant 3 : i32
        %swap3A_240 = arith.index_cast %scan3A_69 : i32 to index
        %swap3A_241 = arith.index_cast %swap3A_239 : i32 to index
        %swap3A_242 = arith.constant 16 : index
        %swap3A_243 = tpu.vector_load %arg9[%swap3A_240, %swap3A_241, %swap3A_242] {strides = array<i32>} : memref<64x9x32xf32, #tpu.memory_space<vmem>>, vector<16xf32>,
        tpu.vector_store %arg9[%swap3A_240, %swap3A_241, %swap3A_242], %div3A_238 {strides = array<i32>} : memref<64x9x32xf32, #tpu.memory_space<vmem>>, vector<16xf32>,
        %div3A_244 = arith.divf %sub3A_177, %add3A_222 : vector<16xf32>
        %swap3A_245 = arith.constant 4 : i32
        %swap3A_246 = arith.index_cast %scan3A_69 : i32 to index
        %swap3A_247 = arith.index_cast %swap3A_245 : i32 to index
        %swap3A_248 = arith.constant 16 : index
        %swap3A_249 = tpu.vector_load %arg9[%swap3A_246, %swap3A_247, %swap3A_248] {strides = array<i32>} : memref<64x9x32xf32, #tpu.memory_space<vmem>>, vector<16xf32>,
        tpu.vector_store %arg9[%swap3A_246, %swap3A_247, %swap3A_248], %div3A_244 {strides = array<i32>} : memref<64x9x32xf32, #tpu.memory_space<vmem>>, vector<16xf32>,
        %div3A_250 = arith.divf %sub3A_178, %add3A_222 : vector<16xf32>
        %swap3A_251 = arith.constant 5 : i32
        %swap3A_252 = arith.index_cast %scan3A_69 : i32 to index
        %swap3A_253 = arith.index_cast %swap3A_251 : i32 to index
        %swap3A_254 = arith.constant 16 : index
        %swap3A_255 = tpu.vector_load %arg9[%swap3A_252, %swap3A_253, %swap3A_254] {strides = array<i32>} : memref<64x9x32xf32, #tpu.memory_space<vmem>>, vector<16xf32>,
        tpu.vector_store %arg9[%swap3A_252, %swap3A_253, %swap3A_254], %div3A_250 {strides = array<i32>} : memref<64x9x32xf32, #tpu.memory_space<vmem>>, vector<16xf32>,
        %swap3A_256 = arith.constant 6 : i32
        %swap3A_257 = arith.index_cast %scan3A_69 : i32 to index
        %swap3A_258 = arith.index_cast %swap3A_256 : i32 to index
        %swap3A_259 = arith.constant 16 : index
        %swap3A_260 = tpu.vector_load %arg9[%swap3A_257, %swap3A_258, %swap3A_259] {strides = array<i32>} : memref<64x9x32xf32, #tpu.memory_space<vmem>>, vector<16xf32>,
        tpu.vector_store %arg9[%swap3A_257, %swap3A_258, %swap3A_259], %gather3A {strides = array<i32>} : memref<64x9x32xf32, #tpu.memory_space<vmem>>, vector<16xf32>,
        %swap3A_261 = arith.constant 7 : i32
        %swap3A_262 = arith.index_cast %scan3A_69 : i32 to index
        %swap3A_263 = arith.index_cast %swap3A_261 : i32 to index
        %swap3A_264 = arith.constant 16 : index
        %swap3A_265 = tpu.vector_load %arg9[%swap3A_262, %swap3A_263, %swap3A_264] {strides = array<i32>} : memref<64x9x32xf32, #tpu.memory_space<vmem>>, vector<16xf32>,
        tpu.vector_store %arg9[%swap3A_262, %swap3A_263, %swap3A_264], %gather3A_71 {strides = array<i32>} : memref<64x9x32xf32, #tpu.memory_space<vmem>>, vector<16xf32>,
        %swap3A_266 = arith.constant 8 : i32
        %swap3A_267 = arith.index_cast %scan3A_69 : i32 to index
        %swap3A_268 = arith.index_cast %swap3A_266 : i32 to index
        %swap3A_269 = arith.constant 16 : index
        %swap3A_270 = tpu.vector_load %arg9[%swap3A_267, %swap3A_268, %swap3A_269] {strides = array<i32>} : memref<64x9x32xf32, #tpu.memory_space<vmem>>, vector<16xf32>,
        tpu.vector_store %arg9[%swap3A_267, %swap3A_268, %swap3A_269], %gather3A_72 {strides = array<i32>} : memref<64x9x32xf32, #tpu.memory_space<vmem>>, vector<16xf32>,
      }
      %scan3A_68 = arith.constant 64 : i32
      "tpu.region"() ({
        %run_scoped3A = tpu.sem_alloc : memref<!tpu.dma_semaphore, #tpu.memory_space<semaphore_mem>>
        %dma_start3A = arith.constant 0 : i32
        %dma_start3A_69 = arith.constant 0 : i32
        %dma_start3A_70 = tpu.memref_slice %arg4[%add3A_62, %dma_start3A, %dma_start3A_69] : memref<16384x9x32xf32, #tpu.memory_space<hbm>> -> memref<64x9x32xf32, #tpu.memory_space<hbm>>
        %dma_start3A_71 = arith.constant 0 : i32
        %dma_start3A_72 = arith.constant 0 : i32
        %dma_start3A_73 = tpu.memref_slice %arg4[%add3A_62, %dma_start3A_71, %dma_start3A_72] : memref<16384x9x32xf32, #tpu.memory_space<hbm>> -> memref<64x9x32xf32, #tpu.memory_space<hbm>>
        tpu.enqueue_dma source(%arg9 : memref<64x9x32xf32, #tpu.memory_space<vmem>>) target(%dma_start3A_73 : memref<64x9x32xf32, #tpu.memory_space<hbm>>) target_semaphore(%run_scoped3A : memref<!tpu.dma_semaphore, #tpu.memory_space<semaphore_mem>>)
        %dma_wait3A = arith.constant 0 : i32
        %dma_wait3A_74 = arith.constant 0 : i32
        %dma_wait3A_75 = tpu.memref_slice %arg4[%add3A_62, %dma_wait3A, %dma_wait3A_74] : memref<16384x9x32xf32, #tpu.memory_space<hbm>> -> memref<64x9x32xf32, #tpu.memory_space<hbm>>
        %dma_wait3A_76 = arith.constant 0 : i32
        %dma_wait3A_77 = arith.constant 0 : i32
        %dma_wait3A_78 = tpu.memref_slice %arg4[%add3A_62, %dma_wait3A_76, %dma_wait3A_77] : memref<16384x9x32xf32, #tpu.memory_space<hbm>> -> memref<64x9x32xf32, #tpu.memory_space<hbm>>
        tpu.wait_dma2 semaphore(%run_scoped3A : memref<!tpu.dma_semaphore, #tpu.memory_space<semaphore_mem>>) src(%arg9 : memref<64x9x32xf32, #tpu.memory_space<vmem>>) dst(%dma_wait3A_78 : memref<64x9x32xf32, #tpu.memory_space<hbm>>)
        tpu.yield
      }) : () -> ()
    }
    %scan3A_55 = arith.constant 8 : i32
    return
  }
}

module attributes {stable_mosaic.version = 14 : i64} {
  func.func @_topk_body(%arg0: i32, %arg1: i32, %arg2: memref<1x256x3xf32, #tpu.memory_space<vmem>>, %arg3: memref<1x3x2048xf32, #tpu.memory_space<vmem>>, %arg4: memref<1x256x32xi32, #tpu.memory_space<vmem>>) attributes {dimension_semantics = [#tpu.dimension_semantics<parallel>, #tpu.dimension_semantics<parallel>], iteration_bounds = array<i64: 8, 8>, scalar_prefetch = 0 : i64, scratch_operands = 0 : i64, tpu.core_type = #tpu.core_type<tc>, window_params = [{transform_indices = @transform_0, window_bounds = array<i64: 1, 256, 3>}, {transform_indices = @transform_1, window_bounds = array<i64: 1, 3, 2048>}, {transform_indices = @transform_2, window_bounds = array<i64: 1, 256, 32>}]} {
    %get3A = arith.constant 0 : index
    %get3A_0 = arith.constant 0 : index
    %get3A_1 = arith.constant 0 : index
    %get3A_2 = vector.load %arg2[%get3A, %get3A_0, %get3A_1] : memref<1x256x3xf32, #tpu.memory_space<vmem>>, vector<1x256x3xf32>
    %get3A_3 = vector.shape_cast %get3A_2 : vector<1x256x3xf32> to vector<256x3xf32>
    %get3A_4 = arith.constant 0 : index
    %get3A_5 = arith.constant 0 : index
    %get3A_6 = arith.constant 0 : index
    %get3A_7 = vector.load %arg3[%get3A_4, %get3A_5, %get3A_6] : memref<1x3x2048xf32, #tpu.memory_space<vmem>>, vector<1x3x2048xf32>
    %get3A_8 = vector.shape_cast %get3A_7 : vector<1x3x2048xf32> to vector<3x2048xf32>
    %slice3A = vector.extract_strided_slice %get3A_8 {offsets = [0, 0], sizes = [1, 2048], strides = [1, 1]} : vector<3x2048xf32> to vector<1x2048xf32>
    %slice3A_9 = vector.extract_strided_slice %get3A_8 {offsets = [1, 0], sizes = [1, 2048], strides = [1, 1]} : vector<3x2048xf32> to vector<1x2048xf32>
    %slice3A_10 = vector.extract_strided_slice %get3A_8 {offsets = [2, 0], sizes = [1, 2048], strides = [1, 1]} : vector<3x2048xf32> to vector<1x2048xf32>
    %mul3A = arith.mulf %slice3A, %slice3A : vector<1x2048xf32>
    %mul3A_11 = arith.mulf %slice3A_9, %slice3A_9 : vector<1x2048xf32>
    %add3A = arith.addf %mul3A, %mul3A_11 : vector<1x2048xf32>
    %mul3A_12 = arith.mulf %slice3A_10, %slice3A_10 : vector<1x2048xf32>
    %add3A_13 = arith.addf %add3A, %mul3A_12 : vector<1x2048xf32>
    %slice3A_14 = vector.extract_strided_slice %get3A_3 {offsets = [0, 0], sizes = [256, 1], strides = [1, 1]} : vector<256x3xf32> to vector<256x1xf32>
    %slice3A_15 = vector.extract_strided_slice %get3A_3 {offsets = [0, 1], sizes = [256, 1], strides = [1, 1]} : vector<256x3xf32> to vector<256x1xf32>
    %slice3A_16 = vector.extract_strided_slice %get3A_3 {offsets = [0, 2], sizes = [256, 1], strides = [1, 1]} : vector<256x3xf32> to vector<256x1xf32>
    %mul3A_17 = arith.mulf %slice3A_14, %slice3A_14 : vector<256x1xf32>
    %mul3A_18 = arith.mulf %slice3A_15, %slice3A_15 : vector<256x1xf32>
    %add3A_19 = arith.addf %mul3A_17, %mul3A_18 : vector<256x1xf32>
    %mul3A_20 = arith.mulf %slice3A_16, %slice3A_16 : vector<256x1xf32>
    %add3A_21 = arith.addf %add3A_19, %mul3A_20 : vector<256x1xf32>
    %convert_element_type3A = arith.truncf %get3A_3 : vector<256x3xf32> to vector<256x3xbf16>
    %convert_element_type3A_22 = arith.truncf %get3A_8 : vector<3x2048xf32> to vector<3x2048xbf16>
    %dot_general3A = arith.constant dense<0.000000e+00> : vector<256x2048xf32>
    %dot_general3A_23 = tpu.matmul %convert_element_type3A, %convert_element_type3A_22, %dot_general3A {dimension_numbers = #tpu.dot_dimension_numbers<[1], [0], [0], [1], [0, 0, 1, 1], [], []>, transpose_lhs_hint = false} : vector<256x3xbf16>, vector<3x2048xbf16>, vector<256x2048xf32> -> vector<256x2048xf32>
    %mul3A_24 = arith.constant -2.000000e+00 : f32
    %mul3A_25 = vector.broadcast %mul3A_24 : f32 to vector<256x2048xf32>
    %mul3A_26 = arith.mulf %mul3A_25, %dot_general3A_23 : vector<256x2048xf32>
    %neg3A = arith.constant 0.000000e+00 : f32
    %neg3A_27 = vector.broadcast %neg3A : f32 to vector<256x1xf32>
    %neg3A_28 = arith.subf %neg3A_27, %add3A_21 : vector<256x1xf32>
    %sub3A = vector.broadcast %neg3A_28 : vector<256x1xf32> to vector<256x2048xf32>
    %sub3A_29 = arith.subf %sub3A, %mul3A_26 : vector<256x2048xf32>
    %sub3A_30 = vector.broadcast %add3A_13 : vector<1x2048xf32> to vector<256x2048xf32>
    %sub3A_31 = arith.subf %sub3A_29, %sub3A_30 : vector<256x2048xf32>
    %iota3A = tpu.iota {dimensions = array<i32: 1>} : vector<256x256xi32>
    %slice3A_32 = vector.extract_strided_slice %sub3A_31 {offsets = [0, 0], sizes = [256, 256], strides = [1, 1]} : vector<256x2048xf32> to vector<256x256xf32>
    %slice3A_33 = vector.extract_strided_slice %sub3A_31 {offsets = [0, 256], sizes = [256, 256], strides = [1, 1]} : vector<256x2048xf32> to vector<256x256xf32>
    %slice3A_34 = vector.extract_strided_slice %sub3A_31 {offsets = [0, 512], sizes = [256, 256], strides = [1, 1]} : vector<256x2048xf32> to vector<256x256xf32>
    %slice3A_35 = vector.extract_strided_slice %sub3A_31 {offsets = [0, 768], sizes = [256, 256], strides = [1, 1]} : vector<256x2048xf32> to vector<256x256xf32>
    %slice3A_36 = vector.extract_strided_slice %sub3A_31 {offsets = [0, 1024], sizes = [256, 256], strides = [1, 1]} : vector<256x2048xf32> to vector<256x256xf32>
    %slice3A_37 = vector.extract_strided_slice %sub3A_31 {offsets = [0, 1280], sizes = [256, 256], strides = [1, 1]} : vector<256x2048xf32> to vector<256x256xf32>
    %slice3A_38 = vector.extract_strided_slice %sub3A_31 {offsets = [0, 1536], sizes = [256, 256], strides = [1, 1]} : vector<256x2048xf32> to vector<256x256xf32>
    %slice3A_39 = vector.extract_strided_slice %sub3A_31 {offsets = [0, 1792], sizes = [256, 256], strides = [1, 1]} : vector<256x2048xf32> to vector<256x256xf32>
    %broadcast_in_dim3A = arith.constant 0 : i32
    %broadcast_in_dim3A_40 = vector.broadcast %broadcast_in_dim3A : i32 to vector<256x256xi32>
    %broadcast_in_dim3A_41 = arith.constant 1 : i32
    %broadcast_in_dim3A_42 = vector.broadcast %broadcast_in_dim3A_41 : i32 to vector<256x256xi32>
    %broadcast_in_dim3A_43 = arith.constant 2 : i32
    %broadcast_in_dim3A_44 = vector.broadcast %broadcast_in_dim3A_43 : i32 to vector<256x256xi32>
    %broadcast_in_dim3A_45 = arith.constant 3 : i32
    %broadcast_in_dim3A_46 = vector.broadcast %broadcast_in_dim3A_45 : i32 to vector<256x256xi32>
    %broadcast_in_dim3A_47 = arith.constant 4 : i32
    %broadcast_in_dim3A_48 = vector.broadcast %broadcast_in_dim3A_47 : i32 to vector<256x256xi32>
    %broadcast_in_dim3A_49 = arith.constant 5 : i32
    %broadcast_in_dim3A_50 = vector.broadcast %broadcast_in_dim3A_49 : i32 to vector<256x256xi32>
    %broadcast_in_dim3A_51 = arith.constant 6 : i32
    %broadcast_in_dim3A_52 = vector.broadcast %broadcast_in_dim3A_51 : i32 to vector<256x256xi32>
    %broadcast_in_dim3A_53 = arith.constant 7 : i32
    %broadcast_in_dim3A_54 = vector.broadcast %broadcast_in_dim3A_53 : i32 to vector<256x256xi32>
    %gt3A = arith.cmpf ogt, %slice3A_33, %slice3A_32 : vector<256x256xf32>
    %eq3A = arith.cmpf oeq, %slice3A_33, %slice3A_32 : vector<256x256xf32>
    %lt3A = arith.cmpi slt, %broadcast_in_dim3A_42, %broadcast_in_dim3A_40 : vector<256x256xi32>
    %and3A = arith.andi %eq3A, %lt3A : vector<256x256xi1>
    %or3A = arith.ori %gt3A, %and3A : vector<256x256xi1>
    %select_n3A = arith.select %or3A, %slice3A_33, %slice3A_32 : vector<256x256xi1>, vector<256x256xf32>
    %select_n3A_55 = arith.select %or3A, %slice3A_32, %slice3A_33 : vector<256x256xi1>, vector<256x256xf32>
    %select_n3A_56 = arith.select %or3A, %broadcast_in_dim3A_42, %broadcast_in_dim3A_40 : vector<256x256xi1>, vector<256x256xi32>
    %select_n3A_57 = arith.select %or3A, %broadcast_in_dim3A_40, %broadcast_in_dim3A_42 : vector<256x256xi1>, vector<256x256xi32>
    %gt3A_58 = arith.cmpf ogt, %slice3A_35, %slice3A_34 : vector<256x256xf32>
    %eq3A_59 = arith.cmpf oeq, %slice3A_35, %slice3A_34 : vector<256x256xf32>
    %lt3A_60 = arith.cmpi slt, %broadcast_in_dim3A_46, %broadcast_in_dim3A_44 : vector<256x256xi32>
    %and3A_61 = arith.andi %eq3A_59, %lt3A_60 : vector<256x256xi1>
    %or3A_62 = arith.ori %gt3A_58, %and3A_61 : vector<256x256xi1>
    %select_n3A_63 = arith.select %or3A_62, %slice3A_35, %slice3A_34 : vector<256x256xi1>, vector<256x256xf32>
    %select_n3A_64 = arith.select %or3A_62, %slice3A_34, %slice3A_35 : vector<256x256xi1>, vector<256x256xf32>
    %select_n3A_65 = arith.select %or3A_62, %broadcast_in_dim3A_46, %broadcast_in_dim3A_44 : vector<256x256xi1>, vector<256x256xi32>
    %select_n3A_66 = arith.select %or3A_62, %broadcast_in_dim3A_44, %broadcast_in_dim3A_46 : vector<256x256xi1>, vector<256x256xi32>
    %gt3A_67 = arith.cmpf ogt, %slice3A_37, %slice3A_36 : vector<256x256xf32>
    %eq3A_68 = arith.cmpf oeq, %slice3A_37, %slice3A_36 : vector<256x256xf32>
    %lt3A_69 = arith.cmpi slt, %broadcast_in_dim3A_50, %broadcast_in_dim3A_48 : vector<256x256xi32>
    %and3A_70 = arith.andi %eq3A_68, %lt3A_69 : vector<256x256xi1>
    %or3A_71 = arith.ori %gt3A_67, %and3A_70 : vector<256x256xi1>
    %select_n3A_72 = arith.select %or3A_71, %slice3A_37, %slice3A_36 : vector<256x256xi1>, vector<256x256xf32>
    %select_n3A_73 = arith.select %or3A_71, %slice3A_36, %slice3A_37 : vector<256x256xi1>, vector<256x256xf32>
    %select_n3A_74 = arith.select %or3A_71, %broadcast_in_dim3A_50, %broadcast_in_dim3A_48 : vector<256x256xi1>, vector<256x256xi32>
    %select_n3A_75 = arith.select %or3A_71, %broadcast_in_dim3A_48, %broadcast_in_dim3A_50 : vector<256x256xi1>, vector<256x256xi32>
    %gt3A_76 = arith.cmpf ogt, %slice3A_39, %slice3A_38 : vector<256x256xf32>
    %eq3A_77 = arith.cmpf oeq, %slice3A_39, %slice3A_38 : vector<256x256xf32>
    %lt3A_78 = arith.cmpi slt, %broadcast_in_dim3A_54, %broadcast_in_dim3A_52 : vector<256x256xi32>
    %and3A_79 = arith.andi %eq3A_77, %lt3A_78 : vector<256x256xi1>
    %or3A_80 = arith.ori %gt3A_76, %and3A_79 : vector<256x256xi1>
    %select_n3A_81 = arith.select %or3A_80, %slice3A_39, %slice3A_38 : vector<256x256xi1>, vector<256x256xf32>
    %select_n3A_82 = arith.select %or3A_80, %slice3A_38, %slice3A_39 : vector<256x256xi1>, vector<256x256xf32>
    %select_n3A_83 = arith.select %or3A_80, %broadcast_in_dim3A_54, %broadcast_in_dim3A_52 : vector<256x256xi1>, vector<256x256xi32>
    %select_n3A_84 = arith.select %or3A_80, %broadcast_in_dim3A_52, %broadcast_in_dim3A_54 : vector<256x256xi1>, vector<256x256xi32>
    %gt3A_85 = arith.cmpf ogt, %select_n3A_63, %select_n3A : vector<256x256xf32>
    %eq3A_86 = arith.cmpf oeq, %select_n3A_63, %select_n3A : vector<256x256xf32>
    %lt3A_87 = arith.cmpi slt, %select_n3A_65, %select_n3A_56 : vector<256x256xi32>
    %and3A_88 = arith.andi %eq3A_86, %lt3A_87 : vector<256x256xi1>
    %or3A_89 = arith.ori %gt3A_85, %and3A_88 : vector<256x256xi1>
    %select_n3A_90 = arith.select %or3A_89, %select_n3A_63, %select_n3A : vector<256x256xi1>, vector<256x256xf32>
    %select_n3A_91 = arith.select %or3A_89, %select_n3A, %select_n3A_63 : vector<256x256xi1>, vector<256x256xf32>
    %select_n3A_92 = arith.select %or3A_89, %select_n3A_65, %select_n3A_56 : vector<256x256xi1>, vector<256x256xi32>
    %select_n3A_93 = arith.select %or3A_89, %select_n3A_56, %select_n3A_65 : vector<256x256xi1>, vector<256x256xi32>
    %gt3A_94 = arith.cmpf ogt, %select_n3A_64, %select_n3A_55 : vector<256x256xf32>
    %eq3A_95 = arith.cmpf oeq, %select_n3A_64, %select_n3A_55 : vector<256x256xf32>
    %lt3A_96 = arith.cmpi slt, %select_n3A_66, %select_n3A_57 : vector<256x256xi32>
    %and3A_97 = arith.andi %eq3A_95, %lt3A_96 : vector<256x256xi1>
    %or3A_98 = arith.ori %gt3A_94, %and3A_97 : vector<256x256xi1>
    %select_n3A_99 = arith.select %or3A_98, %select_n3A_64, %select_n3A_55 : vector<256x256xi1>, vector<256x256xf32>
    %select_n3A_100 = arith.select %or3A_98, %select_n3A_55, %select_n3A_64 : vector<256x256xi1>, vector<256x256xf32>
    %select_n3A_101 = arith.select %or3A_98, %select_n3A_66, %select_n3A_57 : vector<256x256xi1>, vector<256x256xi32>
    %select_n3A_102 = arith.select %or3A_98, %select_n3A_57, %select_n3A_66 : vector<256x256xi1>, vector<256x256xi32>
    %gt3A_103 = arith.cmpf ogt, %select_n3A_91, %select_n3A_99 : vector<256x256xf32>
    %eq3A_104 = arith.cmpf oeq, %select_n3A_91, %select_n3A_99 : vector<256x256xf32>
    %lt3A_105 = arith.cmpi slt, %select_n3A_93, %select_n3A_101 : vector<256x256xi32>
    %and3A_106 = arith.andi %eq3A_104, %lt3A_105 : vector<256x256xi1>
    %or3A_107 = arith.ori %gt3A_103, %and3A_106 : vector<256x256xi1>
    %select_n3A_108 = arith.select %or3A_107, %select_n3A_91, %select_n3A_99 : vector<256x256xi1>, vector<256x256xf32>
    %select_n3A_109 = arith.select %or3A_107, %select_n3A_99, %select_n3A_91 : vector<256x256xi1>, vector<256x256xf32>
    %select_n3A_110 = arith.select %or3A_107, %select_n3A_93, %select_n3A_101 : vector<256x256xi1>, vector<256x256xi32>
    %select_n3A_111 = arith.select %or3A_107, %select_n3A_101, %select_n3A_93 : vector<256x256xi1>, vector<256x256xi32>
    %gt3A_112 = arith.cmpf ogt, %select_n3A_81, %select_n3A_72 : vector<256x256xf32>
    %eq3A_113 = arith.cmpf oeq, %select_n3A_81, %select_n3A_72 : vector<256x256xf32>
    %lt3A_114 = arith.cmpi slt, %select_n3A_83, %select_n3A_74 : vector<256x256xi32>
    %and3A_115 = arith.andi %eq3A_113, %lt3A_114 : vector<256x256xi1>
    %or3A_116 = arith.ori %gt3A_112, %and3A_115 : vector<256x256xi1>
    %select_n3A_117 = arith.select %or3A_116, %select_n3A_81, %select_n3A_72 : vector<256x256xi1>, vector<256x256xf32>
    %select_n3A_118 = arith.select %or3A_116, %select_n3A_72, %select_n3A_81 : vector<256x256xi1>, vector<256x256xf32>
    %select_n3A_119 = arith.select %or3A_116, %select_n3A_83, %select_n3A_74 : vector<256x256xi1>, vector<256x256xi32>
    %select_n3A_120 = arith.select %or3A_116, %select_n3A_74, %select_n3A_83 : vector<256x256xi1>, vector<256x256xi32>
    %gt3A_121 = arith.cmpf ogt, %select_n3A_82, %select_n3A_73 : vector<256x256xf32>
    %eq3A_122 = arith.cmpf oeq, %select_n3A_82, %select_n3A_73 : vector<256x256xf32>
    %lt3A_123 = arith.cmpi slt, %select_n3A_84, %select_n3A_75 : vector<256x256xi32>
    %and3A_124 = arith.andi %eq3A_122, %lt3A_123 : vector<256x256xi1>
    %or3A_125 = arith.ori %gt3A_121, %and3A_124 : vector<256x256xi1>
    %select_n3A_126 = arith.select %or3A_125, %select_n3A_82, %select_n3A_73 : vector<256x256xi1>, vector<256x256xf32>
    %select_n3A_127 = arith.select %or3A_125, %select_n3A_73, %select_n3A_82 : vector<256x256xi1>, vector<256x256xf32>
    %select_n3A_128 = arith.select %or3A_125, %select_n3A_84, %select_n3A_75 : vector<256x256xi1>, vector<256x256xi32>
    %select_n3A_129 = arith.select %or3A_125, %select_n3A_75, %select_n3A_84 : vector<256x256xi1>, vector<256x256xi32>
    %gt3A_130 = arith.cmpf ogt, %select_n3A_118, %select_n3A_126 : vector<256x256xf32>
    %eq3A_131 = arith.cmpf oeq, %select_n3A_118, %select_n3A_126 : vector<256x256xf32>
    %lt3A_132 = arith.cmpi slt, %select_n3A_120, %select_n3A_128 : vector<256x256xi32>
    %and3A_133 = arith.andi %eq3A_131, %lt3A_132 : vector<256x256xi1>
    %or3A_134 = arith.ori %gt3A_130, %and3A_133 : vector<256x256xi1>
    %select_n3A_135 = arith.select %or3A_134, %select_n3A_118, %select_n3A_126 : vector<256x256xi1>, vector<256x256xf32>
    %select_n3A_136 = arith.select %or3A_134, %select_n3A_126, %select_n3A_118 : vector<256x256xi1>, vector<256x256xf32>
    %select_n3A_137 = arith.select %or3A_134, %select_n3A_120, %select_n3A_128 : vector<256x256xi1>, vector<256x256xi32>
    %select_n3A_138 = arith.select %or3A_134, %select_n3A_128, %select_n3A_120 : vector<256x256xi1>, vector<256x256xi32>
    %gt3A_139 = arith.cmpf ogt, %select_n3A_117, %select_n3A_90 : vector<256x256xf32>
    %eq3A_140 = arith.cmpf oeq, %select_n3A_117, %select_n3A_90 : vector<256x256xf32>
    %lt3A_141 = arith.cmpi slt, %select_n3A_119, %select_n3A_92 : vector<256x256xi32>
    %and3A_142 = arith.andi %eq3A_140, %lt3A_141 : vector<256x256xi1>
    %or3A_143 = arith.ori %gt3A_139, %and3A_142 : vector<256x256xi1>
    %select_n3A_144 = arith.select %or3A_143, %select_n3A_117, %select_n3A_90 : vector<256x256xi1>, vector<256x256xf32>
    %select_n3A_145 = arith.select %or3A_143, %select_n3A_90, %select_n3A_117 : vector<256x256xi1>, vector<256x256xf32>
    %select_n3A_146 = arith.select %or3A_143, %select_n3A_119, %select_n3A_92 : vector<256x256xi1>, vector<256x256xi32>
    %select_n3A_147 = arith.select %or3A_143, %select_n3A_92, %select_n3A_119 : vector<256x256xi1>, vector<256x256xi32>
    %gt3A_148 = arith.cmpf ogt, %select_n3A_135, %select_n3A_108 : vector<256x256xf32>
    %eq3A_149 = arith.cmpf oeq, %select_n3A_135, %select_n3A_108 : vector<256x256xf32>
    %lt3A_150 = arith.cmpi slt, %select_n3A_137, %select_n3A_110 : vector<256x256xi32>
    %and3A_151 = arith.andi %eq3A_149, %lt3A_150 : vector<256x256xi1>
    %or3A_152 = arith.ori %gt3A_148, %and3A_151 : vector<256x256xi1>
    %select_n3A_153 = arith.select %or3A_152, %select_n3A_135, %select_n3A_108 : vector<256x256xi1>, vector<256x256xf32>
    %select_n3A_154 = arith.select %or3A_152, %select_n3A_108, %select_n3A_135 : vector<256x256xi1>, vector<256x256xf32>
    %select_n3A_155 = arith.select %or3A_152, %select_n3A_137, %select_n3A_110 : vector<256x256xi1>, vector<256x256xi32>
    %select_n3A_156 = arith.select %or3A_152, %select_n3A_110, %select_n3A_137 : vector<256x256xi1>, vector<256x256xi32>
    %gt3A_157 = arith.cmpf ogt, %select_n3A_136, %select_n3A_109 : vector<256x256xf32>
    %eq3A_158 = arith.cmpf oeq, %select_n3A_136, %select_n3A_109 : vector<256x256xf32>
    %lt3A_159 = arith.cmpi slt, %select_n3A_138, %select_n3A_111 : vector<256x256xi32>
    %and3A_160 = arith.andi %eq3A_158, %lt3A_159 : vector<256x256xi1>
    %or3A_161 = arith.ori %gt3A_157, %and3A_160 : vector<256x256xi1>
    %select_n3A_162 = arith.select %or3A_161, %select_n3A_136, %select_n3A_109 : vector<256x256xi1>, vector<256x256xf32>
    %select_n3A_163 = arith.select %or3A_161, %select_n3A_109, %select_n3A_136 : vector<256x256xi1>, vector<256x256xf32>
    %select_n3A_164 = arith.select %or3A_161, %select_n3A_138, %select_n3A_111 : vector<256x256xi1>, vector<256x256xi32>
    %select_n3A_165 = arith.select %or3A_161, %select_n3A_111, %select_n3A_138 : vector<256x256xi1>, vector<256x256xi32>
    %gt3A_166 = arith.cmpf ogt, %select_n3A_127, %select_n3A_100 : vector<256x256xf32>
    %eq3A_167 = arith.cmpf oeq, %select_n3A_127, %select_n3A_100 : vector<256x256xf32>
    %lt3A_168 = arith.cmpi slt, %select_n3A_129, %select_n3A_102 : vector<256x256xi32>
    %and3A_169 = arith.andi %eq3A_167, %lt3A_168 : vector<256x256xi1>
    %or3A_170 = arith.ori %gt3A_166, %and3A_169 : vector<256x256xi1>
    %select_n3A_171 = arith.select %or3A_170, %select_n3A_127, %select_n3A_100 : vector<256x256xi1>, vector<256x256xf32>
    %select_n3A_172 = arith.select %or3A_170, %select_n3A_100, %select_n3A_127 : vector<256x256xi1>, vector<256x256xf32>
    %select_n3A_173 = arith.select %or3A_170, %select_n3A_129, %select_n3A_102 : vector<256x256xi1>, vector<256x256xi32>
    %select_n3A_174 = arith.select %or3A_170, %select_n3A_102, %select_n3A_129 : vector<256x256xi1>, vector<256x256xi32>
    %gt3A_175 = arith.cmpf ogt, %select_n3A_145, %select_n3A_162 : vector<256x256xf32>
    %eq3A_176 = arith.cmpf oeq, %select_n3A_145, %select_n3A_162 : vector<256x256xf32>
    %lt3A_177 = arith.cmpi slt, %select_n3A_147, %select_n3A_164 : vector<256x256xi32>
    %and3A_178 = arith.andi %eq3A_176, %lt3A_177 : vector<256x256xi1>
    %or3A_179 = arith.ori %gt3A_175, %and3A_178 : vector<256x256xi1>
    %select_n3A_180 = arith.select %or3A_179, %select_n3A_145, %select_n3A_162 : vector<256x256xi1>, vector<256x256xf32>
    %select_n3A_181 = arith.select %or3A_179, %select_n3A_162, %select_n3A_145 : vector<256x256xi1>, vector<256x256xf32>
    %select_n3A_182 = arith.select %or3A_179, %select_n3A_147, %select_n3A_164 : vector<256x256xi1>, vector<256x256xi32>
    %select_n3A_183 = arith.select %or3A_179, %select_n3A_164, %select_n3A_147 : vector<256x256xi1>, vector<256x256xi32>
    %gt3A_184 = arith.cmpf ogt, %select_n3A_154, %select_n3A_171 : vector<256x256xf32>
    %eq3A_185 = arith.cmpf oeq, %select_n3A_154, %select_n3A_171 : vector<256x256xf32>
    %lt3A_186 = arith.cmpi slt, %select_n3A_156, %select_n3A_173 : vector<256x256xi32>
    %and3A_187 = arith.andi %eq3A_185, %lt3A_186 : vector<256x256xi1>
    %or3A_188 = arith.ori %gt3A_184, %and3A_187 : vector<256x256xi1>
    %select_n3A_189 = arith.select %or3A_188, %select_n3A_154, %select_n3A_171 : vector<256x256xi1>, vector<256x256xf32>
    %select_n3A_190 = arith.select %or3A_188, %select_n3A_171, %select_n3A_154 : vector<256x256xi1>, vector<256x256xf32>
    %select_n3A_191 = arith.select %or3A_188, %select_n3A_156, %select_n3A_173 : vector<256x256xi1>, vector<256x256xi32>
    %select_n3A_192 = arith.select %or3A_188, %select_n3A_173, %select_n3A_156 : vector<256x256xi1>, vector<256x256xi32>
    %gt3A_193 = arith.cmpf ogt, %select_n3A_180, %select_n3A_153 : vector<256x256xf32>
    %eq3A_194 = arith.cmpf oeq, %select_n3A_180, %select_n3A_153 : vector<256x256xf32>
    %lt3A_195 = arith.cmpi slt, %select_n3A_182, %select_n3A_155 : vector<256x256xi32>
    %and3A_196 = arith.andi %eq3A_194, %lt3A_195 : vector<256x256xi1>
    %or3A_197 = arith.ori %gt3A_193, %and3A_196 : vector<256x256xi1>
    %select_n3A_198 = arith.select %or3A_197, %select_n3A_180, %select_n3A_153 : vector<256x256xi1>, vector<256x256xf32>
    %select_n3A_199 = arith.select %or3A_197, %select_n3A_153, %select_n3A_180 : vector<256x256xi1>, vector<256x256xf32>
    %select_n3A_200 = arith.select %or3A_197, %select_n3A_182, %select_n3A_155 : vector<256x256xi1>, vector<256x256xi32>
    %select_n3A_201 = arith.select %or3A_197, %select_n3A_155, %select_n3A_182 : vector<256x256xi1>, vector<256x256xi32>
    %gt3A_202 = arith.cmpf ogt, %select_n3A_181, %select_n3A_189 : vector<256x256xf32>
    %eq3A_203 = arith.cmpf oeq, %select_n3A_181, %select_n3A_189 : vector<256x256xf32>
    %lt3A_204 = arith.cmpi slt, %select_n3A_183, %select_n3A_191 : vector<256x256xi32>
    %and3A_205 = arith.andi %eq3A_203, %lt3A_204 : vector<256x256xi1>
    %or3A_206 = arith.ori %gt3A_202, %and3A_205 : vector<256x256xi1>
    %select_n3A_207 = arith.select %or3A_206, %select_n3A_181, %select_n3A_189 : vector<256x256xi1>, vector<256x256xf32>
    %select_n3A_208 = arith.select %or3A_206, %select_n3A_189, %select_n3A_181 : vector<256x256xi1>, vector<256x256xf32>
    %select_n3A_209 = arith.select %or3A_206, %select_n3A_183, %select_n3A_191 : vector<256x256xi1>, vector<256x256xi32>
    %select_n3A_210 = arith.select %or3A_206, %select_n3A_191, %select_n3A_183 : vector<256x256xi1>, vector<256x256xi32>
    %gt3A_211 = arith.cmpf ogt, %select_n3A_163, %select_n3A_190 : vector<256x256xf32>
    %eq3A_212 = arith.cmpf oeq, %select_n3A_163, %select_n3A_190 : vector<256x256xf32>
    %lt3A_213 = arith.cmpi slt, %select_n3A_165, %select_n3A_192 : vector<256x256xi32>
    %and3A_214 = arith.andi %eq3A_212, %lt3A_213 : vector<256x256xi1>
    %or3A_215 = arith.ori %gt3A_211, %and3A_214 : vector<256x256xi1>
    %select_n3A_216 = arith.select %or3A_215, %select_n3A_163, %select_n3A_190 : vector<256x256xi1>, vector<256x256xf32>
    %select_n3A_217 = arith.select %or3A_215, %select_n3A_190, %select_n3A_163 : vector<256x256xi1>, vector<256x256xf32>
    %select_n3A_218 = arith.select %or3A_215, %select_n3A_165, %select_n3A_192 : vector<256x256xi1>, vector<256x256xi32>
    %select_n3A_219 = arith.select %or3A_215, %select_n3A_192, %select_n3A_165 : vector<256x256xi1>, vector<256x256xi32>
    %shift_left3A = arith.constant 4 : i32
    %shift_left3A_220 = vector.broadcast %shift_left3A : i32 to vector<256x256xi32>
    %shift_left3A_221 = arith.shli %select_n3A_200, %shift_left3A_220 : vector<256x256xi32>
    %or3A_222 = arith.ori %select_n3A_146, %shift_left3A_221 : vector<256x256xi32>
    %shift_left3A_223 = arith.constant 8 : i32
    %shift_left3A_224 = vector.broadcast %shift_left3A_223 : i32 to vector<256x256xi32>
    %shift_left3A_225 = arith.shli %select_n3A_201, %shift_left3A_224 : vector<256x256xi32>
    %or3A_226 = arith.ori %or3A_222, %shift_left3A_225 : vector<256x256xi32>
    %shift_left3A_227 = arith.constant 12 : i32
    %shift_left3A_228 = vector.broadcast %shift_left3A_227 : i32 to vector<256x256xi32>
    %shift_left3A_229 = arith.shli %select_n3A_209, %shift_left3A_228 : vector<256x256xi32>
    %or3A_230 = arith.ori %or3A_226, %shift_left3A_229 : vector<256x256xi32>
    %shift_left3A_231 = arith.constant 16 : i32
    %shift_left3A_232 = vector.broadcast %shift_left3A_231 : i32 to vector<256x256xi32>
    %shift_left3A_233 = arith.shli %select_n3A_210, %shift_left3A_232 : vector<256x256xi32>
    %or3A_234 = arith.ori %or3A_230, %shift_left3A_233 : vector<256x256xi32>
    %shift_left3A_235 = arith.constant 20 : i32
    %shift_left3A_236 = vector.broadcast %shift_left3A_235 : i32 to vector<256x256xi32>
    %shift_left3A_237 = arith.shli %select_n3A_218, %shift_left3A_236 : vector<256x256xi32>
    %or3A_238 = arith.ori %or3A_234, %shift_left3A_237 : vector<256x256xi32>
    %shift_left3A_239 = arith.constant 24 : i32
    %shift_left3A_240 = vector.broadcast %shift_left3A_239 : i32 to vector<256x256xi32>
    %shift_left3A_241 = arith.shli %select_n3A_219, %shift_left3A_240 : vector<256x256xi32>
    %or3A_242 = arith.ori %or3A_238, %shift_left3A_241 : vector<256x256xi32>
    %shift_left3A_243 = arith.constant 28 : i32
    %shift_left3A_244 = vector.broadcast %shift_left3A_243 : i32 to vector<256x256xi32>
    %shift_left3A_245 = arith.shli %select_n3A_174, %shift_left3A_244 : vector<256x256xi32>
    %or3A_246 = arith.ori %or3A_242, %shift_left3A_245 : vector<256x256xi32>
    %convert_element_type3A_247 = arith.sitofp %iota3A : vector<256x256xi32> to vector<256x256xf32>
    %and3A_248 = arith.constant 7 : i32
    %and3A_249 = vector.broadcast %and3A_248 : i32 to vector<256x256xi32>
    %and3A_250 = arith.andi %or3A_246, %and3A_249 : vector<256x256xi32>
    %convert_element_type3A_251 = arith.sitofp %and3A_250 : vector<256x256xi32> to vector<256x256xf32>
    %mul3A_252 = arith.constant 2.560000e+02 : f32
    %mul3A_253 = vector.broadcast %mul3A_252 : f32 to vector<256x256xf32>
    %mul3A_254 = arith.mulf %convert_element_type3A_251, %mul3A_253 : vector<256x256xf32>
    %add3A_255 = arith.addf %mul3A_254, %convert_element_type3A_247 : vector<256x256xf32>
    %reduce_max3A = arith.constant dense<0xFF800000> : vector<256xf32>
    %reduce_max3A_256 = vector.multi_reduction <maximumf>, %select_n3A_144, %reduce_max3A [1] : vector<256x256xf32> to vector<256xf32>
    %broadcast_in_dim3A_257 = vector.shape_cast %reduce_max3A_256 : vector<256xf32> to vector<256x1xf32>
    %eq3A_258 = vector.broadcast %broadcast_in_dim3A_257 : vector<256x1xf32> to vector<256x256xf32>
    %eq3A_259 = arith.cmpf oeq, %select_n3A_144, %eq3A_258 : vector<256x256xf32>
    %jit3A = arith.constant 1.07374182E+9 : f32
    %broadcast_in_dim3A_260 = vector.broadcast %jit3A : f32 to vector<256x256xf32>
    %select_n3A_261 = arith.select %eq3A_259, %add3A_255, %broadcast_in_dim3A_260 : vector<256x256xi1>, vector<256x256xf32>
    %reduce_min3A = arith.constant dense<0x7F800000> : vector<256xf32>
    %reduce_min3A_262 = vector.multi_reduction <minimumf>, %select_n3A_261, %reduce_min3A [1] : vector<256x256xf32> to vector<256xf32>
    %broadcast_in_dim3A_263 = vector.shape_cast %reduce_min3A_262 : vector<256xf32> to vector<256x1xf32>
    %eq3A_264 = vector.broadcast %broadcast_in_dim3A_263 : vector<256x1xf32> to vector<256x256xf32>
    %eq3A_265 = arith.cmpf oeq, %select_n3A_261, %eq3A_264 : vector<256x256xf32>
    %select_n3A_266 = arith.select %eq3A_265, %select_n3A_198, %select_n3A_144 : vector<256x256xi1>, vector<256x256xf32>
    %select_n3A_267 = arith.select %eq3A_265, %select_n3A_199, %select_n3A_198 : vector<256x256xi1>, vector<256x256xf32>
    %select_n3A_268 = arith.select %eq3A_265, %select_n3A_207, %select_n3A_199 : vector<256x256xi1>, vector<256x256xf32>
    %select_n3A_269 = arith.select %eq3A_265, %select_n3A_208, %select_n3A_207 : vector<256x256xi1>, vector<256x256xf32>
    %select_n3A_270 = arith.select %eq3A_265, %select_n3A_216, %select_n3A_208 : vector<256x256xi1>, vector<256x256xf32>
    %select_n3A_271 = arith.select %eq3A_265, %select_n3A_217, %select_n3A_216 : vector<256x256xi1>, vector<256x256xf32>
    %select_n3A_272 = arith.select %eq3A_265, %select_n3A_172, %select_n3A_217 : vector<256x256xi1>, vector<256x256xf32>
    %jit3A_273 = arith.constant 0xFF800000 : f32
    %broadcast_in_dim3A_274 = vector.broadcast %jit3A_273 : f32 to vector<256x256xf32>
    %select_n3A_275 = arith.select %eq3A_265, %broadcast_in_dim3A_274, %select_n3A_172 : vector<256x256xi1>, vector<256x256xf32>
    %shift_right_logical3A = arith.constant 4 : i32
    %shift_right_logical3A_276 = vector.broadcast %shift_right_logical3A : i32 to vector<256x256xi32>
    %shift_right_logical3A_277 = arith.shrui %or3A_246, %shift_right_logical3A_276 : vector<256x256xi32>
    %select_n3A_278 = arith.select %eq3A_265, %shift_right_logical3A_277, %or3A_246 : vector<256x256xi1>, vector<256x256xi32>
    %and3A_279 = arith.constant 7 : i32
    %and3A_280 = vector.broadcast %and3A_279 : i32 to vector<256x256xi32>
    %and3A_281 = arith.andi %select_n3A_278, %and3A_280 : vector<256x256xi32>
    %convert_element_type3A_282 = arith.sitofp %and3A_281 : vector<256x256xi32> to vector<256x256xf32>
    %mul3A_283 = arith.constant 2.560000e+02 : f32
    %mul3A_284 = vector.broadcast %mul3A_283 : f32 to vector<256x256xf32>
    %mul3A_285 = arith.mulf %convert_element_type3A_282, %mul3A_284 : vector<256x256xf32>
    %add3A_286 = arith.addf %mul3A_285, %convert_element_type3A_247 : vector<256x256xf32>
    %reduce_max3A_287 = arith.constant dense<0xFF800000> : vector<256xf32>
    %reduce_max3A_288 = vector.multi_reduction <maximumf>, %select_n3A_266, %reduce_max3A_287 [1] : vector<256x256xf32> to vector<256xf32>
    %broadcast_in_dim3A_289 = vector.shape_cast %reduce_max3A_288 : vector<256xf32> to vector<256x1xf32>
    %eq3A_290 = vector.broadcast %broadcast_in_dim3A_289 : vector<256x1xf32> to vector<256x256xf32>
    %eq3A_291 = arith.cmpf oeq, %select_n3A_266, %eq3A_290 : vector<256x256xf32>
    %jit3A_292 = arith.constant 1.07374182E+9 : f32
    %broadcast_in_dim3A_293 = vector.broadcast %jit3A_292 : f32 to vector<256x256xf32>
    %select_n3A_294 = arith.select %eq3A_291, %add3A_286, %broadcast_in_dim3A_293 : vector<256x256xi1>, vector<256x256xf32>
    %reduce_min3A_295 = arith.constant dense<0x7F800000> : vector<256xf32>
    %reduce_min3A_296 = vector.multi_reduction <minimumf>, %select_n3A_294, %reduce_min3A_295 [1] : vector<256x256xf32> to vector<256xf32>
    %broadcast_in_dim3A_297 = vector.shape_cast %reduce_min3A_296 : vector<256xf32> to vector<256x1xf32>
    %eq3A_298 = vector.broadcast %broadcast_in_dim3A_297 : vector<256x1xf32> to vector<256x256xf32>
    %eq3A_299 = arith.cmpf oeq, %select_n3A_294, %eq3A_298 : vector<256x256xf32>
    %select_n3A_300 = arith.select %eq3A_299, %select_n3A_267, %select_n3A_266 : vector<256x256xi1>, vector<256x256xf32>
    %select_n3A_301 = arith.select %eq3A_299, %select_n3A_268, %select_n3A_267 : vector<256x256xi1>, vector<256x256xf32>
    %select_n3A_302 = arith.select %eq3A_299, %select_n3A_269, %select_n3A_268 : vector<256x256xi1>, vector<256x256xf32>
    %select_n3A_303 = arith.select %eq3A_299, %select_n3A_270, %select_n3A_269 : vector<256x256xi1>, vector<256x256xf32>
    %select_n3A_304 = arith.select %eq3A_299, %select_n3A_271, %select_n3A_270 : vector<256x256xi1>, vector<256x256xf32>
    %select_n3A_305 = arith.select %eq3A_299, %select_n3A_272, %select_n3A_271 : vector<256x256xi1>, vector<256x256xf32>
    %select_n3A_306 = arith.select %eq3A_299, %select_n3A_275, %select_n3A_272 : vector<256x256xi1>, vector<256x256xf32>
    %jit3A_307 = arith.constant 0xFF800000 : f32
    %broadcast_in_dim3A_308 = vector.broadcast %jit3A_307 : f32 to vector<256x256xf32>
    %select_n3A_309 = arith.select %eq3A_299, %broadcast_in_dim3A_308, %select_n3A_275 : vector<256x256xi1>, vector<256x256xf32>
    %shift_right_logical3A_310 = arith.constant 4 : i32
    %shift_right_logical3A_311 = vector.broadcast %shift_right_logical3A_310 : i32 to vector<256x256xi32>
    %shift_right_logical3A_312 = arith.shrui %select_n3A_278, %shift_right_logical3A_311 : vector<256x256xi32>
    %select_n3A_313 = arith.select %eq3A_299, %shift_right_logical3A_312, %select_n3A_278 : vector<256x256xi1>, vector<256x256xi32>
    %and3A_314 = arith.constant 7 : i32
    %and3A_315 = vector.broadcast %and3A_314 : i32 to vector<256x256xi32>
    %and3A_316 = arith.andi %select_n3A_313, %and3A_315 : vector<256x256xi32>
    %convert_element_type3A_317 = arith.sitofp %and3A_316 : vector<256x256xi32> to vector<256x256xf32>
    %mul3A_318 = arith.constant 2.560000e+02 : f32
    %mul3A_319 = vector.broadcast %mul3A_318 : f32 to vector<256x256xf32>
    %mul3A_320 = arith.mulf %convert_element_type3A_317, %mul3A_319 : vector<256x256xf32>
    %add3A_321 = arith.addf %mul3A_320, %convert_element_type3A_247 : vector<256x256xf32>
    %reduce_max3A_322 = arith.constant dense<0xFF800000> : vector<256xf32>
    %reduce_max3A_323 = vector.multi_reduction <maximumf>, %select_n3A_300, %reduce_max3A_322 [1] : vector<256x256xf32> to vector<256xf32>
    %broadcast_in_dim3A_324 = vector.shape_cast %reduce_max3A_323 : vector<256xf32> to vector<256x1xf32>
    %eq3A_325 = vector.broadcast %broadcast_in_dim3A_324 : vector<256x1xf32> to vector<256x256xf32>
    %eq3A_326 = arith.cmpf oeq, %select_n3A_300, %eq3A_325 : vector<256x256xf32>
    %jit3A_327 = arith.constant 1.07374182E+9 : f32
    %broadcast_in_dim3A_328 = vector.broadcast %jit3A_327 : f32 to vector<256x256xf32>
    %select_n3A_329 = arith.select %eq3A_326, %add3A_321, %broadcast_in_dim3A_328 : vector<256x256xi1>, vector<256x256xf32>
    %reduce_min3A_330 = arith.constant dense<0x7F800000> : vector<256xf32>
    %reduce_min3A_331 = vector.multi_reduction <minimumf>, %select_n3A_329, %reduce_min3A_330 [1] : vector<256x256xf32> to vector<256xf32>
    %broadcast_in_dim3A_332 = vector.shape_cast %reduce_min3A_331 : vector<256xf32> to vector<256x1xf32>
    %eq3A_333 = vector.broadcast %broadcast_in_dim3A_332 : vector<256x1xf32> to vector<256x256xf32>
    %eq3A_334 = arith.cmpf oeq, %select_n3A_329, %eq3A_333 : vector<256x256xf32>
    %select_n3A_335 = arith.select %eq3A_334, %select_n3A_301, %select_n3A_300 : vector<256x256xi1>, vector<256x256xf32>
    %select_n3A_336 = arith.select %eq3A_334, %select_n3A_302, %select_n3A_301 : vector<256x256xi1>, vector<256x256xf32>
    %select_n3A_337 = arith.select %eq3A_334, %select_n3A_303, %select_n3A_302 : vector<256x256xi1>, vector<256x256xf32>
    %select_n3A_338 = arith.select %eq3A_334, %select_n3A_304, %select_n3A_303 : vector<256x256xi1>, vector<256x256xf32>
    %select_n3A_339 = arith.select %eq3A_334, %select_n3A_305, %select_n3A_304 : vector<256x256xi1>, vector<256x256xf32>
    %select_n3A_340 = arith.select %eq3A_334, %select_n3A_306, %select_n3A_305 : vector<256x256xi1>, vector<256x256xf32>
    %select_n3A_341 = arith.select %eq3A_334, %select_n3A_309, %select_n3A_306 : vector<256x256xi1>, vector<256x256xf32>
    %jit3A_342 = arith.constant 0xFF800000 : f32
    %broadcast_in_dim3A_343 = vector.broadcast %jit3A_342 : f32 to vector<256x256xf32>
    %select_n3A_344 = arith.select %eq3A_334, %broadcast_in_dim3A_343, %select_n3A_309 : vector<256x256xi1>, vector<256x256xf32>
    %shift_right_logical3A_345 = arith.constant 4 : i32
    %shift_right_logical3A_346 = vector.broadcast %shift_right_logical3A_345 : i32 to vector<256x256xi32>
    %shift_right_logical3A_347 = arith.shrui %select_n3A_313, %shift_right_logical3A_346 : vector<256x256xi32>
    %select_n3A_348 = arith.select %eq3A_334, %shift_right_logical3A_347, %select_n3A_313 : vector<256x256xi1>, vector<256x256xi32>
    %and3A_349 = arith.constant 7 : i32
    %and3A_350 = vector.broadcast %and3A_349 : i32 to vector<256x256xi32>
    %and3A_351 = arith.andi %select_n3A_348, %and3A_350 : vector<256x256xi32>
    %convert_element_type3A_352 = arith.sitofp %and3A_351 : vector<256x256xi32> to vector<256x256xf32>
    %mul3A_353 = arith.constant 2.560000e+02 : f32
    %mul3A_354 = vector.broadcast %mul3A_353 : f32 to vector<256x256xf32>
    %mul3A_355 = arith.mulf %convert_element_type3A_352, %mul3A_354 : vector<256x256xf32>
    %add3A_356 = arith.addf %mul3A_355, %convert_element_type3A_247 : vector<256x256xf32>
    %reduce_max3A_357 = arith.constant dense<0xFF800000> : vector<256xf32>
    %reduce_max3A_358 = vector.multi_reduction <maximumf>, %select_n3A_335, %reduce_max3A_357 [1] : vector<256x256xf32> to vector<256xf32>
    %broadcast_in_dim3A_359 = vector.shape_cast %reduce_max3A_358 : vector<256xf32> to vector<256x1xf32>
    %eq3A_360 = vector.broadcast %broadcast_in_dim3A_359 : vector<256x1xf32> to vector<256x256xf32>
    %eq3A_361 = arith.cmpf oeq, %select_n3A_335, %eq3A_360 : vector<256x256xf32>
    %jit3A_362 = arith.constant 1.07374182E+9 : f32
    %broadcast_in_dim3A_363 = vector.broadcast %jit3A_362 : f32 to vector<256x256xf32>
    %select_n3A_364 = arith.select %eq3A_361, %add3A_356, %broadcast_in_dim3A_363 : vector<256x256xi1>, vector<256x256xf32>
    %reduce_min3A_365 = arith.constant dense<0x7F800000> : vector<256xf32>
    %reduce_min3A_366 = vector.multi_reduction <minimumf>, %select_n3A_364, %reduce_min3A_365 [1] : vector<256x256xf32> to vector<256xf32>
    %broadcast_in_dim3A_367 = vector.shape_cast %reduce_min3A_366 : vector<256xf32> to vector<256x1xf32>
    %eq3A_368 = vector.broadcast %broadcast_in_dim3A_367 : vector<256x1xf32> to vector<256x256xf32>
    %eq3A_369 = arith.cmpf oeq, %select_n3A_364, %eq3A_368 : vector<256x256xf32>
    %select_n3A_370 = arith.select %eq3A_369, %select_n3A_336, %select_n3A_335 : vector<256x256xi1>, vector<256x256xf32>
    %select_n3A_371 = arith.select %eq3A_369, %select_n3A_337, %select_n3A_336 : vector<256x256xi1>, vector<256x256xf32>
    %select_n3A_372 = arith.select %eq3A_369, %select_n3A_338, %select_n3A_337 : vector<256x256xi1>, vector<256x256xf32>
    %select_n3A_373 = arith.select %eq3A_369, %select_n3A_339, %select_n3A_338 : vector<256x256xi1>, vector<256x256xf32>
    %select_n3A_374 = arith.select %eq3A_369, %select_n3A_340, %select_n3A_339 : vector<256x256xi1>, vector<256x256xf32>
    %select_n3A_375 = arith.select %eq3A_369, %select_n3A_341, %select_n3A_340 : vector<256x256xi1>, vector<256x256xf32>
    %select_n3A_376 = arith.select %eq3A_369, %select_n3A_344, %select_n3A_341 : vector<256x256xi1>, vector<256x256xf32>
    %jit3A_377 = arith.constant 0xFF800000 : f32
    %broadcast_in_dim3A_378 = vector.broadcast %jit3A_377 : f32 to vector<256x256xf32>
    %select_n3A_379 = arith.select %eq3A_369, %broadcast_in_dim3A_378, %select_n3A_344 : vector<256x256xi1>, vector<256x256xf32>
    %shift_right_logical3A_380 = arith.constant 4 : i32
    %shift_right_logical3A_381 = vector.broadcast %shift_right_logical3A_380 : i32 to vector<256x256xi32>
    %shift_right_logical3A_382 = arith.shrui %select_n3A_348, %shift_right_logical3A_381 : vector<256x256xi32>
    %select_n3A_383 = arith.select %eq3A_369, %shift_right_logical3A_382, %select_n3A_348 : vector<256x256xi1>, vector<256x256xi32>
    %and3A_384 = arith.constant 7 : i32
    %and3A_385 = vector.broadcast %and3A_384 : i32 to vector<256x256xi32>
    %and3A_386 = arith.andi %select_n3A_383, %and3A_385 : vector<256x256xi32>
    %convert_element_type3A_387 = arith.sitofp %and3A_386 : vector<256x256xi32> to vector<256x256xf32>
    %mul3A_388 = arith.constant 2.560000e+02 : f32
    %mul3A_389 = vector.broadcast %mul3A_388 : f32 to vector<256x256xf32>
    %mul3A_390 = arith.mulf %convert_element_type3A_387, %mul3A_389 : vector<256x256xf32>
    %add3A_391 = arith.addf %mul3A_390, %convert_element_type3A_247 : vector<256x256xf32>
    %reduce_max3A_392 = arith.constant dense<0xFF800000> : vector<256xf32>
    %reduce_max3A_393 = vector.multi_reduction <maximumf>, %select_n3A_370, %reduce_max3A_392 [1] : vector<256x256xf32> to vector<256xf32>
    %broadcast_in_dim3A_394 = vector.shape_cast %reduce_max3A_393 : vector<256xf32> to vector<256x1xf32>
    %eq3A_395 = vector.broadcast %broadcast_in_dim3A_394 : vector<256x1xf32> to vector<256x256xf32>
    %eq3A_396 = arith.cmpf oeq, %select_n3A_370, %eq3A_395 : vector<256x256xf32>
    %jit3A_397 = arith.constant 1.07374182E+9 : f32
    %broadcast_in_dim3A_398 = vector.broadcast %jit3A_397 : f32 to vector<256x256xf32>
    %select_n3A_399 = arith.select %eq3A_396, %add3A_391, %broadcast_in_dim3A_398 : vector<256x256xi1>, vector<256x256xf32>
    %reduce_min3A_400 = arith.constant dense<0x7F800000> : vector<256xf32>
    %reduce_min3A_401 = vector.multi_reduction <minimumf>, %select_n3A_399, %reduce_min3A_400 [1] : vector<256x256xf32> to vector<256xf32>
    %broadcast_in_dim3A_402 = vector.shape_cast %reduce_min3A_401 : vector<256xf32> to vector<256x1xf32>
    %eq3A_403 = vector.broadcast %broadcast_in_dim3A_402 : vector<256x1xf32> to vector<256x256xf32>
    %eq3A_404 = arith.cmpf oeq, %select_n3A_399, %eq3A_403 : vector<256x256xf32>
    %select_n3A_405 = arith.select %eq3A_404, %select_n3A_371, %select_n3A_370 : vector<256x256xi1>, vector<256x256xf32>
    %select_n3A_406 = arith.select %eq3A_404, %select_n3A_372, %select_n3A_371 : vector<256x256xi1>, vector<256x256xf32>
    %select_n3A_407 = arith.select %eq3A_404, %select_n3A_373, %select_n3A_372 : vector<256x256xi1>, vector<256x256xf32>
    %select_n3A_408 = arith.select %eq3A_404, %select_n3A_374, %select_n3A_373 : vector<256x256xi1>, vector<256x256xf32>
    %select_n3A_409 = arith.select %eq3A_404, %select_n3A_375, %select_n3A_374 : vector<256x256xi1>, vector<256x256xf32>
    %select_n3A_410 = arith.select %eq3A_404, %select_n3A_376, %select_n3A_375 : vector<256x256xi1>, vector<256x256xf32>
    %select_n3A_411 = arith.select %eq3A_404, %select_n3A_379, %select_n3A_376 : vector<256x256xi1>, vector<256x256xf32>
    %jit3A_412 = arith.constant 0xFF800000 : f32
    %broadcast_in_dim3A_413 = vector.broadcast %jit3A_412 : f32 to vector<256x256xf32>
    %select_n3A_414 = arith.select %eq3A_404, %broadcast_in_dim3A_413, %select_n3A_379 : vector<256x256xi1>, vector<256x256xf32>
    %shift_right_logical3A_415 = arith.constant 4 : i32
    %shift_right_logical3A_416 = vector.broadcast %shift_right_logical3A_415 : i32 to vector<256x256xi32>
    %shift_right_logical3A_417 = arith.shrui %select_n3A_383, %shift_right_logical3A_416 : vector<256x256xi32>
    %select_n3A_418 = arith.select %eq3A_404, %shift_right_logical3A_417, %select_n3A_383 : vector<256x256xi1>, vector<256x256xi32>
    %and3A_419 = arith.constant 7 : i32
    %and3A_420 = vector.broadcast %and3A_419 : i32 to vector<256x256xi32>
    %and3A_421 = arith.andi %select_n3A_418, %and3A_420 : vector<256x256xi32>
    %convert_element_type3A_422 = arith.sitofp %and3A_421 : vector<256x256xi32> to vector<256x256xf32>
    %mul3A_423 = arith.constant 2.560000e+02 : f32
    %mul3A_424 = vector.broadcast %mul3A_423 : f32 to vector<256x256xf32>
    %mul3A_425 = arith.mulf %convert_element_type3A_422, %mul3A_424 : vector<256x256xf32>
    %add3A_426 = arith.addf %mul3A_425, %convert_element_type3A_247 : vector<256x256xf32>
    %reduce_max3A_427 = arith.constant dense<0xFF800000> : vector<256xf32>
    %reduce_max3A_428 = vector.multi_reduction <maximumf>, %select_n3A_405, %reduce_max3A_427 [1] : vector<256x256xf32> to vector<256xf32>
    %broadcast_in_dim3A_429 = vector.shape_cast %reduce_max3A_428 : vector<256xf32> to vector<256x1xf32>
    %eq3A_430 = vector.broadcast %broadcast_in_dim3A_429 : vector<256x1xf32> to vector<256x256xf32>
    %eq3A_431 = arith.cmpf oeq, %select_n3A_405, %eq3A_430 : vector<256x256xf32>
    %jit3A_432 = arith.constant 1.07374182E+9 : f32
    %broadcast_in_dim3A_433 = vector.broadcast %jit3A_432 : f32 to vector<256x256xf32>
    %select_n3A_434 = arith.select %eq3A_431, %add3A_426, %broadcast_in_dim3A_433 : vector<256x256xi1>, vector<256x256xf32>
    %reduce_min3A_435 = arith.constant dense<0x7F800000> : vector<256xf32>
    %reduce_min3A_436 = vector.multi_reduction <minimumf>, %select_n3A_434, %reduce_min3A_435 [1] : vector<256x256xf32> to vector<256xf32>
    %broadcast_in_dim3A_437 = vector.shape_cast %reduce_min3A_436 : vector<256xf32> to vector<256x1xf32>
    %eq3A_438 = vector.broadcast %broadcast_in_dim3A_437 : vector<256x1xf32> to vector<256x256xf32>
    %eq3A_439 = arith.cmpf oeq, %select_n3A_434, %eq3A_438 : vector<256x256xf32>
    %select_n3A_440 = arith.select %eq3A_439, %select_n3A_406, %select_n3A_405 : vector<256x256xi1>, vector<256x256xf32>
    %select_n3A_441 = arith.select %eq3A_439, %select_n3A_407, %select_n3A_406 : vector<256x256xi1>, vector<256x256xf32>
    %select_n3A_442 = arith.select %eq3A_439, %select_n3A_408, %select_n3A_407 : vector<256x256xi1>, vector<256x256xf32>
    %select_n3A_443 = arith.select %eq3A_439, %select_n3A_409, %select_n3A_408 : vector<256x256xi1>, vector<256x256xf32>
    %select_n3A_444 = arith.select %eq3A_439, %select_n3A_410, %select_n3A_409 : vector<256x256xi1>, vector<256x256xf32>
    %select_n3A_445 = arith.select %eq3A_439, %select_n3A_411, %select_n3A_410 : vector<256x256xi1>, vector<256x256xf32>
    %select_n3A_446 = arith.select %eq3A_439, %select_n3A_414, %select_n3A_411 : vector<256x256xi1>, vector<256x256xf32>
    %jit3A_447 = arith.constant 0xFF800000 : f32
    %broadcast_in_dim3A_448 = vector.broadcast %jit3A_447 : f32 to vector<256x256xf32>
    %select_n3A_449 = arith.select %eq3A_439, %broadcast_in_dim3A_448, %select_n3A_414 : vector<256x256xi1>, vector<256x256xf32>
    %shift_right_logical3A_450 = arith.constant 4 : i32
    %shift_right_logical3A_451 = vector.broadcast %shift_right_logical3A_450 : i32 to vector<256x256xi32>
    %shift_right_logical3A_452 = arith.shrui %select_n3A_418, %shift_right_logical3A_451 : vector<256x256xi32>
    %select_n3A_453 = arith.select %eq3A_439, %shift_right_logical3A_452, %select_n3A_418 : vector<256x256xi1>, vector<256x256xi32>
    %and3A_454 = arith.constant 7 : i32
    %and3A_455 = vector.broadcast %and3A_454 : i32 to vector<256x256xi32>
    %and3A_456 = arith.andi %select_n3A_453, %and3A_455 : vector<256x256xi32>
    %convert_element_type3A_457 = arith.sitofp %and3A_456 : vector<256x256xi32> to vector<256x256xf32>
    %mul3A_458 = arith.constant 2.560000e+02 : f32
    %mul3A_459 = vector.broadcast %mul3A_458 : f32 to vector<256x256xf32>
    %mul3A_460 = arith.mulf %convert_element_type3A_457, %mul3A_459 : vector<256x256xf32>
    %add3A_461 = arith.addf %mul3A_460, %convert_element_type3A_247 : vector<256x256xf32>
    %reduce_max3A_462 = arith.constant dense<0xFF800000> : vector<256xf32>
    %reduce_max3A_463 = vector.multi_reduction <maximumf>, %select_n3A_440, %reduce_max3A_462 [1] : vector<256x256xf32> to vector<256xf32>
    %broadcast_in_dim3A_464 = vector.shape_cast %reduce_max3A_463 : vector<256xf32> to vector<256x1xf32>
    %eq3A_465 = vector.broadcast %broadcast_in_dim3A_464 : vector<256x1xf32> to vector<256x256xf32>
    %eq3A_466 = arith.cmpf oeq, %select_n3A_440, %eq3A_465 : vector<256x256xf32>
    %jit3A_467 = arith.constant 1.07374182E+9 : f32
    %broadcast_in_dim3A_468 = vector.broadcast %jit3A_467 : f32 to vector<256x256xf32>
    %select_n3A_469 = arith.select %eq3A_466, %add3A_461, %broadcast_in_dim3A_468 : vector<256x256xi1>, vector<256x256xf32>
    %reduce_min3A_470 = arith.constant dense<0x7F800000> : vector<256xf32>
    %reduce_min3A_471 = vector.multi_reduction <minimumf>, %select_n3A_469, %reduce_min3A_470 [1] : vector<256x256xf32> to vector<256xf32>
    %broadcast_in_dim3A_472 = vector.shape_cast %reduce_min3A_471 : vector<256xf32> to vector<256x1xf32>
    %eq3A_473 = vector.broadcast %broadcast_in_dim3A_472 : vector<256x1xf32> to vector<256x256xf32>
    %eq3A_474 = arith.cmpf oeq, %select_n3A_469, %eq3A_473 : vector<256x256xf32>
    %select_n3A_475 = arith.select %eq3A_474, %select_n3A_441, %select_n3A_440 : vector<256x256xi1>, vector<256x256xf32>
    %select_n3A_476 = arith.select %eq3A_474, %select_n3A_442, %select_n3A_441 : vector<256x256xi1>, vector<256x256xf32>
    %select_n3A_477 = arith.select %eq3A_474, %select_n3A_443, %select_n3A_442 : vector<256x256xi1>, vector<256x256xf32>
    %select_n3A_478 = arith.select %eq3A_474, %select_n3A_444, %select_n3A_443 : vector<256x256xi1>, vector<256x256xf32>
    %select_n3A_479 = arith.select %eq3A_474, %select_n3A_445, %select_n3A_444 : vector<256x256xi1>, vector<256x256xf32>
    %select_n3A_480 = arith.select %eq3A_474, %select_n3A_446, %select_n3A_445 : vector<256x256xi1>, vector<256x256xf32>
    %select_n3A_481 = arith.select %eq3A_474, %select_n3A_449, %select_n3A_446 : vector<256x256xi1>, vector<256x256xf32>
    %jit3A_482 = arith.constant 0xFF800000 : f32
    %broadcast_in_dim3A_483 = vector.broadcast %jit3A_482 : f32 to vector<256x256xf32>
    %select_n3A_484 = arith.select %eq3A_474, %broadcast_in_dim3A_483, %select_n3A_449 : vector<256x256xi1>, vector<256x256xf32>
    %shift_right_logical3A_485 = arith.constant 4 : i32
    %shift_right_logical3A_486 = vector.broadcast %shift_right_logical3A_485 : i32 to vector<256x256xi32>
    %shift_right_logical3A_487 = arith.shrui %select_n3A_453, %shift_right_logical3A_486 : vector<256x256xi32>
    %select_n3A_488 = arith.select %eq3A_474, %shift_right_logical3A_487, %select_n3A_453 : vector<256x256xi1>, vector<256x256xi32>
    %and3A_489 = arith.constant 7 : i32
    %and3A_490 = vector.broadcast %and3A_489 : i32 to vector<256x256xi32>
    %and3A_491 = arith.andi %select_n3A_488, %and3A_490 : vector<256x256xi32>
    %convert_element_type3A_492 = arith.sitofp %and3A_491 : vector<256x256xi32> to vector<256x256xf32>
    %mul3A_493 = arith.constant 2.560000e+02 : f32
    %mul3A_494 = vector.broadcast %mul3A_493 : f32 to vector<256x256xf32>
    %mul3A_495 = arith.mulf %convert_element_type3A_492, %mul3A_494 : vector<256x256xf32>
    %add3A_496 = arith.addf %mul3A_495, %convert_element_type3A_247 : vector<256x256xf32>
    %reduce_max3A_497 = arith.constant dense<0xFF800000> : vector<256xf32>
    %reduce_max3A_498 = vector.multi_reduction <maximumf>, %select_n3A_475, %reduce_max3A_497 [1] : vector<256x256xf32> to vector<256xf32>
    %broadcast_in_dim3A_499 = vector.shape_cast %reduce_max3A_498 : vector<256xf32> to vector<256x1xf32>
    %eq3A_500 = vector.broadcast %broadcast_in_dim3A_499 : vector<256x1xf32> to vector<256x256xf32>
    %eq3A_501 = arith.cmpf oeq, %select_n3A_475, %eq3A_500 : vector<256x256xf32>
    %jit3A_502 = arith.constant 1.07374182E+9 : f32
    %broadcast_in_dim3A_503 = vector.broadcast %jit3A_502 : f32 to vector<256x256xf32>
    %select_n3A_504 = arith.select %eq3A_501, %add3A_496, %broadcast_in_dim3A_503 : vector<256x256xi1>, vector<256x256xf32>
    %reduce_min3A_505 = arith.constant dense<0x7F800000> : vector<256xf32>
    %reduce_min3A_506 = vector.multi_reduction <minimumf>, %select_n3A_504, %reduce_min3A_505 [1] : vector<256x256xf32> to vector<256xf32>
    %broadcast_in_dim3A_507 = vector.shape_cast %reduce_min3A_506 : vector<256xf32> to vector<256x1xf32>
    %eq3A_508 = vector.broadcast %broadcast_in_dim3A_507 : vector<256x1xf32> to vector<256x256xf32>
    %eq3A_509 = arith.cmpf oeq, %select_n3A_504, %eq3A_508 : vector<256x256xf32>
    %select_n3A_510 = arith.select %eq3A_509, %select_n3A_476, %select_n3A_475 : vector<256x256xi1>, vector<256x256xf32>
    %select_n3A_511 = arith.select %eq3A_509, %select_n3A_477, %select_n3A_476 : vector<256x256xi1>, vector<256x256xf32>
    %select_n3A_512 = arith.select %eq3A_509, %select_n3A_478, %select_n3A_477 : vector<256x256xi1>, vector<256x256xf32>
    %select_n3A_513 = arith.select %eq3A_509, %select_n3A_479, %select_n3A_478 : vector<256x256xi1>, vector<256x256xf32>
    %select_n3A_514 = arith.select %eq3A_509, %select_n3A_480, %select_n3A_479 : vector<256x256xi1>, vector<256x256xf32>
    %select_n3A_515 = arith.select %eq3A_509, %select_n3A_481, %select_n3A_480 : vector<256x256xi1>, vector<256x256xf32>
    %select_n3A_516 = arith.select %eq3A_509, %select_n3A_484, %select_n3A_481 : vector<256x256xi1>, vector<256x256xf32>
    %jit3A_517 = arith.constant 0xFF800000 : f32
    %broadcast_in_dim3A_518 = vector.broadcast %jit3A_517 : f32 to vector<256x256xf32>
    %select_n3A_519 = arith.select %eq3A_509, %broadcast_in_dim3A_518, %select_n3A_484 : vector<256x256xi1>, vector<256x256xf32>
    %shift_right_logical3A_520 = arith.constant 4 : i32
    %shift_right_logical3A_521 = vector.broadcast %shift_right_logical3A_520 : i32 to vector<256x256xi32>
    %shift_right_logical3A_522 = arith.shrui %select_n3A_488, %shift_right_logical3A_521 : vector<256x256xi32>
    %select_n3A_523 = arith.select %eq3A_509, %shift_right_logical3A_522, %select_n3A_488 : vector<256x256xi1>, vector<256x256xi32>
    %and3A_524 = arith.constant 7 : i32
    %and3A_525 = vector.broadcast %and3A_524 : i32 to vector<256x256xi32>
    %and3A_526 = arith.andi %select_n3A_523, %and3A_525 : vector<256x256xi32>
    %convert_element_type3A_527 = arith.sitofp %and3A_526 : vector<256x256xi32> to vector<256x256xf32>
    %mul3A_528 = arith.constant 2.560000e+02 : f32
    %mul3A_529 = vector.broadcast %mul3A_528 : f32 to vector<256x256xf32>
    %mul3A_530 = arith.mulf %convert_element_type3A_527, %mul3A_529 : vector<256x256xf32>
    %add3A_531 = arith.addf %mul3A_530, %convert_element_type3A_247 : vector<256x256xf32>
    %reduce_max3A_532 = arith.constant dense<0xFF800000> : vector<256xf32>
    %reduce_max3A_533 = vector.multi_reduction <maximumf>, %select_n3A_510, %reduce_max3A_532 [1] : vector<256x256xf32> to vector<256xf32>
    %broadcast_in_dim3A_534 = vector.shape_cast %reduce_max3A_533 : vector<256xf32> to vector<256x1xf32>
    %eq3A_535 = vector.broadcast %broadcast_in_dim3A_534 : vector<256x1xf32> to vector<256x256xf32>
    %eq3A_536 = arith.cmpf oeq, %select_n3A_510, %eq3A_535 : vector<256x256xf32>
    %jit3A_537 = arith.constant 1.07374182E+9 : f32
    %broadcast_in_dim3A_538 = vector.broadcast %jit3A_537 : f32 to vector<256x256xf32>
    %select_n3A_539 = arith.select %eq3A_536, %add3A_531, %broadcast_in_dim3A_538 : vector<256x256xi1>, vector<256x256xf32>
    %reduce_min3A_540 = arith.constant dense<0x7F800000> : vector<256xf32>
    %reduce_min3A_541 = vector.multi_reduction <minimumf>, %select_n3A_539, %reduce_min3A_540 [1] : vector<256x256xf32> to vector<256xf32>
    %broadcast_in_dim3A_542 = vector.shape_cast %reduce_min3A_541 : vector<256xf32> to vector<256x1xf32>
    %eq3A_543 = vector.broadcast %broadcast_in_dim3A_542 : vector<256x1xf32> to vector<256x256xf32>
    %eq3A_544 = arith.cmpf oeq, %select_n3A_539, %eq3A_543 : vector<256x256xf32>
    %select_n3A_545 = arith.select %eq3A_544, %select_n3A_511, %select_n3A_510 : vector<256x256xi1>, vector<256x256xf32>
    %select_n3A_546 = arith.select %eq3A_544, %select_n3A_512, %select_n3A_511 : vector<256x256xi1>, vector<256x256xf32>
    %select_n3A_547 = arith.select %eq3A_544, %select_n3A_513, %select_n3A_512 : vector<256x256xi1>, vector<256x256xf32>
    %select_n3A_548 = arith.select %eq3A_544, %select_n3A_514, %select_n3A_513 : vector<256x256xi1>, vector<256x256xf32>
    %select_n3A_549 = arith.select %eq3A_544, %select_n3A_515, %select_n3A_514 : vector<256x256xi1>, vector<256x256xf32>
    %select_n3A_550 = arith.select %eq3A_544, %select_n3A_516, %select_n3A_515 : vector<256x256xi1>, vector<256x256xf32>
    %select_n3A_551 = arith.select %eq3A_544, %select_n3A_519, %select_n3A_516 : vector<256x256xi1>, vector<256x256xf32>
    %jit3A_552 = arith.constant 0xFF800000 : f32
    %broadcast_in_dim3A_553 = vector.broadcast %jit3A_552 : f32 to vector<256x256xf32>
    %select_n3A_554 = arith.select %eq3A_544, %broadcast_in_dim3A_553, %select_n3A_519 : vector<256x256xi1>, vector<256x256xf32>
    %shift_right_logical3A_555 = arith.constant 4 : i32
    %shift_right_logical3A_556 = vector.broadcast %shift_right_logical3A_555 : i32 to vector<256x256xi32>
    %shift_right_logical3A_557 = arith.shrui %select_n3A_523, %shift_right_logical3A_556 : vector<256x256xi32>
    %select_n3A_558 = arith.select %eq3A_544, %shift_right_logical3A_557, %select_n3A_523 : vector<256x256xi1>, vector<256x256xi32>
    %and3A_559 = arith.constant 7 : i32
    %and3A_560 = vector.broadcast %and3A_559 : i32 to vector<256x256xi32>
    %and3A_561 = arith.andi %select_n3A_558, %and3A_560 : vector<256x256xi32>
    %convert_element_type3A_562 = arith.sitofp %and3A_561 : vector<256x256xi32> to vector<256x256xf32>
    %mul3A_563 = arith.constant 2.560000e+02 : f32
    %mul3A_564 = vector.broadcast %mul3A_563 : f32 to vector<256x256xf32>
    %mul3A_565 = arith.mulf %convert_element_type3A_562, %mul3A_564 : vector<256x256xf32>
    %add3A_566 = arith.addf %mul3A_565, %convert_element_type3A_247 : vector<256x256xf32>
    %reduce_max3A_567 = arith.constant dense<0xFF800000> : vector<256xf32>
    %reduce_max3A_568 = vector.multi_reduction <maximumf>, %select_n3A_545, %reduce_max3A_567 [1] : vector<256x256xf32> to vector<256xf32>
    %broadcast_in_dim3A_569 = vector.shape_cast %reduce_max3A_568 : vector<256xf32> to vector<256x1xf32>
    %eq3A_570 = vector.broadcast %broadcast_in_dim3A_569 : vector<256x1xf32> to vector<256x256xf32>
    %eq3A_571 = arith.cmpf oeq, %select_n3A_545, %eq3A_570 : vector<256x256xf32>
    %jit3A_572 = arith.constant 1.07374182E+9 : f32
    %broadcast_in_dim3A_573 = vector.broadcast %jit3A_572 : f32 to vector<256x256xf32>
    %select_n3A_574 = arith.select %eq3A_571, %add3A_566, %broadcast_in_dim3A_573 : vector<256x256xi1>, vector<256x256xf32>
    %reduce_min3A_575 = arith.constant dense<0x7F800000> : vector<256xf32>
    %reduce_min3A_576 = vector.multi_reduction <minimumf>, %select_n3A_574, %reduce_min3A_575 [1] : vector<256x256xf32> to vector<256xf32>
    %broadcast_in_dim3A_577 = vector.shape_cast %reduce_min3A_576 : vector<256xf32> to vector<256x1xf32>
    %eq3A_578 = vector.broadcast %broadcast_in_dim3A_577 : vector<256x1xf32> to vector<256x256xf32>
    %eq3A_579 = arith.cmpf oeq, %select_n3A_574, %eq3A_578 : vector<256x256xf32>
    %select_n3A_580 = arith.select %eq3A_579, %select_n3A_546, %select_n3A_545 : vector<256x256xi1>, vector<256x256xf32>
    %select_n3A_581 = arith.select %eq3A_579, %select_n3A_547, %select_n3A_546 : vector<256x256xi1>, vector<256x256xf32>
    %select_n3A_582 = arith.select %eq3A_579, %select_n3A_548, %select_n3A_547 : vector<256x256xi1>, vector<256x256xf32>
    %select_n3A_583 = arith.select %eq3A_579, %select_n3A_549, %select_n3A_548 : vector<256x256xi1>, vector<256x256xf32>
    %select_n3A_584 = arith.select %eq3A_579, %select_n3A_550, %select_n3A_549 : vector<256x256xi1>, vector<256x256xf32>
    %select_n3A_585 = arith.select %eq3A_579, %select_n3A_551, %select_n3A_550 : vector<256x256xi1>, vector<256x256xf32>
    %select_n3A_586 = arith.select %eq3A_579, %select_n3A_554, %select_n3A_551 : vector<256x256xi1>, vector<256x256xf32>
    %jit3A_587 = arith.constant 0xFF800000 : f32
    %broadcast_in_dim3A_588 = vector.broadcast %jit3A_587 : f32 to vector<256x256xf32>
    %select_n3A_589 = arith.select %eq3A_579, %broadcast_in_dim3A_588, %select_n3A_554 : vector<256x256xi1>, vector<256x256xf32>
    %shift_right_logical3A_590 = arith.constant 4 : i32
    %shift_right_logical3A_591 = vector.broadcast %shift_right_logical3A_590 : i32 to vector<256x256xi32>
    %shift_right_logical3A_592 = arith.shrui %select_n3A_558, %shift_right_logical3A_591 : vector<256x256xi32>
    %select_n3A_593 = arith.select %eq3A_579, %shift_right_logical3A_592, %select_n3A_558 : vector<256x256xi1>, vector<256x256xi32>
    %and3A_594 = arith.constant 7 : i32
    %and3A_595 = vector.broadcast %and3A_594 : i32 to vector<256x256xi32>
    %and3A_596 = arith.andi %select_n3A_593, %and3A_595 : vector<256x256xi32>
    %convert_element_type3A_597 = arith.sitofp %and3A_596 : vector<256x256xi32> to vector<256x256xf32>
    %mul3A_598 = arith.constant 2.560000e+02 : f32
    %mul3A_599 = vector.broadcast %mul3A_598 : f32 to vector<256x256xf32>
    %mul3A_600 = arith.mulf %convert_element_type3A_597, %mul3A_599 : vector<256x256xf32>
    %add3A_601 = arith.addf %mul3A_600, %convert_element_type3A_247 : vector<256x256xf32>
    %reduce_max3A_602 = arith.constant dense<0xFF800000> : vector<256xf32>
    %reduce_max3A_603 = vector.multi_reduction <maximumf>, %select_n3A_580, %reduce_max3A_602 [1] : vector<256x256xf32> to vector<256xf32>
    %broadcast_in_dim3A_604 = vector.shape_cast %reduce_max3A_603 : vector<256xf32> to vector<256x1xf32>
    %eq3A_605 = vector.broadcast %broadcast_in_dim3A_604 : vector<256x1xf32> to vector<256x256xf32>
    %eq3A_606 = arith.cmpf oeq, %select_n3A_580, %eq3A_605 : vector<256x256xf32>
    %jit3A_607 = arith.constant 1.07374182E+9 : f32
    %broadcast_in_dim3A_608 = vector.broadcast %jit3A_607 : f32 to vector<256x256xf32>
    %select_n3A_609 = arith.select %eq3A_606, %add3A_601, %broadcast_in_dim3A_608 : vector<256x256xi1>, vector<256x256xf32>
    %reduce_min3A_610 = arith.constant dense<0x7F800000> : vector<256xf32>
    %reduce_min3A_611 = vector.multi_reduction <minimumf>, %select_n3A_609, %reduce_min3A_610 [1] : vector<256x256xf32> to vector<256xf32>
    %broadcast_in_dim3A_612 = vector.shape_cast %reduce_min3A_611 : vector<256xf32> to vector<256x1xf32>
    %eq3A_613 = vector.broadcast %broadcast_in_dim3A_612 : vector<256x1xf32> to vector<256x256xf32>
    %eq3A_614 = arith.cmpf oeq, %select_n3A_609, %eq3A_613 : vector<256x256xf32>
    %select_n3A_615 = arith.select %eq3A_614, %select_n3A_581, %select_n3A_580 : vector<256x256xi1>, vector<256x256xf32>
    %select_n3A_616 = arith.select %eq3A_614, %select_n3A_582, %select_n3A_581 : vector<256x256xi1>, vector<256x256xf32>
    %select_n3A_617 = arith.select %eq3A_614, %select_n3A_583, %select_n3A_582 : vector<256x256xi1>, vector<256x256xf32>
    %select_n3A_618 = arith.select %eq3A_614, %select_n3A_584, %select_n3A_583 : vector<256x256xi1>, vector<256x256xf32>
    %select_n3A_619 = arith.select %eq3A_614, %select_n3A_585, %select_n3A_584 : vector<256x256xi1>, vector<256x256xf32>
    %select_n3A_620 = arith.select %eq3A_614, %select_n3A_586, %select_n3A_585 : vector<256x256xi1>, vector<256x256xf32>
    %select_n3A_621 = arith.select %eq3A_614, %select_n3A_589, %select_n3A_586 : vector<256x256xi1>, vector<256x256xf32>
    %jit3A_622 = arith.constant 0xFF800000 : f32
    %broadcast_in_dim3A_623 = vector.broadcast %jit3A_622 : f32 to vector<256x256xf32>
    %select_n3A_624 = arith.select %eq3A_614, %broadcast_in_dim3A_623, %select_n3A_589 : vector<256x256xi1>, vector<256x256xf32>
    %shift_right_logical3A_625 = arith.constant 4 : i32
    %shift_right_logical3A_626 = vector.broadcast %shift_right_logical3A_625 : i32 to vector<256x256xi32>
    %shift_right_logical3A_627 = arith.shrui %select_n3A_593, %shift_right_logical3A_626 : vector<256x256xi32>
    %select_n3A_628 = arith.select %eq3A_614, %shift_right_logical3A_627, %select_n3A_593 : vector<256x256xi1>, vector<256x256xi32>
    %and3A_629 = arith.constant 7 : i32
    %and3A_630 = vector.broadcast %and3A_629 : i32 to vector<256x256xi32>
    %and3A_631 = arith.andi %select_n3A_628, %and3A_630 : vector<256x256xi32>
    %convert_element_type3A_632 = arith.sitofp %and3A_631 : vector<256x256xi32> to vector<256x256xf32>
    %mul3A_633 = arith.constant 2.560000e+02 : f32
    %mul3A_634 = vector.broadcast %mul3A_633 : f32 to vector<256x256xf32>
    %mul3A_635 = arith.mulf %convert_element_type3A_632, %mul3A_634 : vector<256x256xf32>
    %add3A_636 = arith.addf %mul3A_635, %convert_element_type3A_247 : vector<256x256xf32>
    %reduce_max3A_637 = arith.constant dense<0xFF800000> : vector<256xf32>
    %reduce_max3A_638 = vector.multi_reduction <maximumf>, %select_n3A_615, %reduce_max3A_637 [1] : vector<256x256xf32> to vector<256xf32>
    %broadcast_in_dim3A_639 = vector.shape_cast %reduce_max3A_638 : vector<256xf32> to vector<256x1xf32>
    %eq3A_640 = vector.broadcast %broadcast_in_dim3A_639 : vector<256x1xf32> to vector<256x256xf32>
    %eq3A_641 = arith.cmpf oeq, %select_n3A_615, %eq3A_640 : vector<256x256xf32>
    %jit3A_642 = arith.constant 1.07374182E+9 : f32
    %broadcast_in_dim3A_643 = vector.broadcast %jit3A_642 : f32 to vector<256x256xf32>
    %select_n3A_644 = arith.select %eq3A_641, %add3A_636, %broadcast_in_dim3A_643 : vector<256x256xi1>, vector<256x256xf32>
    %reduce_min3A_645 = arith.constant dense<0x7F800000> : vector<256xf32>
    %reduce_min3A_646 = vector.multi_reduction <minimumf>, %select_n3A_644, %reduce_min3A_645 [1] : vector<256x256xf32> to vector<256xf32>
    %broadcast_in_dim3A_647 = vector.shape_cast %reduce_min3A_646 : vector<256xf32> to vector<256x1xf32>
    %eq3A_648 = vector.broadcast %broadcast_in_dim3A_647 : vector<256x1xf32> to vector<256x256xf32>
    %eq3A_649 = arith.cmpf oeq, %select_n3A_644, %eq3A_648 : vector<256x256xf32>
    %select_n3A_650 = arith.select %eq3A_649, %select_n3A_616, %select_n3A_615 : vector<256x256xi1>, vector<256x256xf32>
    %select_n3A_651 = arith.select %eq3A_649, %select_n3A_617, %select_n3A_616 : vector<256x256xi1>, vector<256x256xf32>
    %select_n3A_652 = arith.select %eq3A_649, %select_n3A_618, %select_n3A_617 : vector<256x256xi1>, vector<256x256xf32>
    %select_n3A_653 = arith.select %eq3A_649, %select_n3A_619, %select_n3A_618 : vector<256x256xi1>, vector<256x256xf32>
    %select_n3A_654 = arith.select %eq3A_649, %select_n3A_620, %select_n3A_619 : vector<256x256xi1>, vector<256x256xf32>
    %select_n3A_655 = arith.select %eq3A_649, %select_n3A_621, %select_n3A_620 : vector<256x256xi1>, vector<256x256xf32>
    %select_n3A_656 = arith.select %eq3A_649, %select_n3A_624, %select_n3A_621 : vector<256x256xi1>, vector<256x256xf32>
    %jit3A_657 = arith.constant 0xFF800000 : f32
    %broadcast_in_dim3A_658 = vector.broadcast %jit3A_657 : f32 to vector<256x256xf32>
    %select_n3A_659 = arith.select %eq3A_649, %broadcast_in_dim3A_658, %select_n3A_624 : vector<256x256xi1>, vector<256x256xf32>
    %shift_right_logical3A_660 = arith.constant 4 : i32
    %shift_right_logical3A_661 = vector.broadcast %shift_right_logical3A_660 : i32 to vector<256x256xi32>
    %shift_right_logical3A_662 = arith.shrui %select_n3A_628, %shift_right_logical3A_661 : vector<256x256xi32>
    %select_n3A_663 = arith.select %eq3A_649, %shift_right_logical3A_662, %select_n3A_628 : vector<256x256xi1>, vector<256x256xi32>
    %and3A_664 = arith.constant 7 : i32
    %and3A_665 = vector.broadcast %and3A_664 : i32 to vector<256x256xi32>
    %and3A_666 = arith.andi %select_n3A_663, %and3A_665 : vector<256x256xi32>
    %convert_element_type3A_667 = arith.sitofp %and3A_666 : vector<256x256xi32> to vector<256x256xf32>
    %mul3A_668 = arith.constant 2.560000e+02 : f32
    %mul3A_669 = vector.broadcast %mul3A_668 : f32 to vector<256x256xf32>
    %mul3A_670 = arith.mulf %convert_element_type3A_667, %mul3A_669 : vector<256x256xf32>
    %add3A_671 = arith.addf %mul3A_670, %convert_element_type3A_247 : vector<256x256xf32>
    %reduce_max3A_672 = arith.constant dense<0xFF800000> : vector<256xf32>
    %reduce_max3A_673 = vector.multi_reduction <maximumf>, %select_n3A_650, %reduce_max3A_672 [1] : vector<256x256xf32> to vector<256xf32>
    %broadcast_in_dim3A_674 = vector.shape_cast %reduce_max3A_673 : vector<256xf32> to vector<256x1xf32>
    %eq3A_675 = vector.broadcast %broadcast_in_dim3A_674 : vector<256x1xf32> to vector<256x256xf32>
    %eq3A_676 = arith.cmpf oeq, %select_n3A_650, %eq3A_675 : vector<256x256xf32>
    %jit3A_677 = arith.constant 1.07374182E+9 : f32
    %broadcast_in_dim3A_678 = vector.broadcast %jit3A_677 : f32 to vector<256x256xf32>
    %select_n3A_679 = arith.select %eq3A_676, %add3A_671, %broadcast_in_dim3A_678 : vector<256x256xi1>, vector<256x256xf32>
    %reduce_min3A_680 = arith.constant dense<0x7F800000> : vector<256xf32>
    %reduce_min3A_681 = vector.multi_reduction <minimumf>, %select_n3A_679, %reduce_min3A_680 [1] : vector<256x256xf32> to vector<256xf32>
    %broadcast_in_dim3A_682 = vector.shape_cast %reduce_min3A_681 : vector<256xf32> to vector<256x1xf32>
    %eq3A_683 = vector.broadcast %broadcast_in_dim3A_682 : vector<256x1xf32> to vector<256x256xf32>
    %eq3A_684 = arith.cmpf oeq, %select_n3A_679, %eq3A_683 : vector<256x256xf32>
    %select_n3A_685 = arith.select %eq3A_684, %select_n3A_651, %select_n3A_650 : vector<256x256xi1>, vector<256x256xf32>
    %select_n3A_686 = arith.select %eq3A_684, %select_n3A_652, %select_n3A_651 : vector<256x256xi1>, vector<256x256xf32>
    %select_n3A_687 = arith.select %eq3A_684, %select_n3A_653, %select_n3A_652 : vector<256x256xi1>, vector<256x256xf32>
    %select_n3A_688 = arith.select %eq3A_684, %select_n3A_654, %select_n3A_653 : vector<256x256xi1>, vector<256x256xf32>
    %select_n3A_689 = arith.select %eq3A_684, %select_n3A_655, %select_n3A_654 : vector<256x256xi1>, vector<256x256xf32>
    %select_n3A_690 = arith.select %eq3A_684, %select_n3A_656, %select_n3A_655 : vector<256x256xi1>, vector<256x256xf32>
    %select_n3A_691 = arith.select %eq3A_684, %select_n3A_659, %select_n3A_656 : vector<256x256xi1>, vector<256x256xf32>
    %jit3A_692 = arith.constant 0xFF800000 : f32
    %broadcast_in_dim3A_693 = vector.broadcast %jit3A_692 : f32 to vector<256x256xf32>
    %select_n3A_694 = arith.select %eq3A_684, %broadcast_in_dim3A_693, %select_n3A_659 : vector<256x256xi1>, vector<256x256xf32>
    %shift_right_logical3A_695 = arith.constant 4 : i32
    %shift_right_logical3A_696 = vector.broadcast %shift_right_logical3A_695 : i32 to vector<256x256xi32>
    %shift_right_logical3A_697 = arith.shrui %select_n3A_663, %shift_right_logical3A_696 : vector<256x256xi32>
    %select_n3A_698 = arith.select %eq3A_684, %shift_right_logical3A_697, %select_n3A_663 : vector<256x256xi1>, vector<256x256xi32>
    %and3A_699 = arith.constant 7 : i32
    %and3A_700 = vector.broadcast %and3A_699 : i32 to vector<256x256xi32>
    %and3A_701 = arith.andi %select_n3A_698, %and3A_700 : vector<256x256xi32>
    %convert_element_type3A_702 = arith.sitofp %and3A_701 : vector<256x256xi32> to vector<256x256xf32>
    %mul3A_703 = arith.constant 2.560000e+02 : f32
    %mul3A_704 = vector.broadcast %mul3A_703 : f32 to vector<256x256xf32>
    %mul3A_705 = arith.mulf %convert_element_type3A_702, %mul3A_704 : vector<256x256xf32>
    %add3A_706 = arith.addf %mul3A_705, %convert_element_type3A_247 : vector<256x256xf32>
    %reduce_max3A_707 = arith.constant dense<0xFF800000> : vector<256xf32>
    %reduce_max3A_708 = vector.multi_reduction <maximumf>, %select_n3A_685, %reduce_max3A_707 [1] : vector<256x256xf32> to vector<256xf32>
    %broadcast_in_dim3A_709 = vector.shape_cast %reduce_max3A_708 : vector<256xf32> to vector<256x1xf32>
    %eq3A_710 = vector.broadcast %broadcast_in_dim3A_709 : vector<256x1xf32> to vector<256x256xf32>
    %eq3A_711 = arith.cmpf oeq, %select_n3A_685, %eq3A_710 : vector<256x256xf32>
    %jit3A_712 = arith.constant 1.07374182E+9 : f32
    %broadcast_in_dim3A_713 = vector.broadcast %jit3A_712 : f32 to vector<256x256xf32>
    %select_n3A_714 = arith.select %eq3A_711, %add3A_706, %broadcast_in_dim3A_713 : vector<256x256xi1>, vector<256x256xf32>
    %reduce_min3A_715 = arith.constant dense<0x7F800000> : vector<256xf32>
    %reduce_min3A_716 = vector.multi_reduction <minimumf>, %select_n3A_714, %reduce_min3A_715 [1] : vector<256x256xf32> to vector<256xf32>
    %broadcast_in_dim3A_717 = vector.shape_cast %reduce_min3A_716 : vector<256xf32> to vector<256x1xf32>
    %eq3A_718 = vector.broadcast %broadcast_in_dim3A_717 : vector<256x1xf32> to vector<256x256xf32>
    %eq3A_719 = arith.cmpf oeq, %select_n3A_714, %eq3A_718 : vector<256x256xf32>
    %select_n3A_720 = arith.select %eq3A_719, %select_n3A_686, %select_n3A_685 : vector<256x256xi1>, vector<256x256xf32>
    %select_n3A_721 = arith.select %eq3A_719, %select_n3A_687, %select_n3A_686 : vector<256x256xi1>, vector<256x256xf32>
    %select_n3A_722 = arith.select %eq3A_719, %select_n3A_688, %select_n3A_687 : vector<256x256xi1>, vector<256x256xf32>
    %select_n3A_723 = arith.select %eq3A_719, %select_n3A_689, %select_n3A_688 : vector<256x256xi1>, vector<256x256xf32>
    %select_n3A_724 = arith.select %eq3A_719, %select_n3A_690, %select_n3A_689 : vector<256x256xi1>, vector<256x256xf32>
    %select_n3A_725 = arith.select %eq3A_719, %select_n3A_691, %select_n3A_690 : vector<256x256xi1>, vector<256x256xf32>
    %select_n3A_726 = arith.select %eq3A_719, %select_n3A_694, %select_n3A_691 : vector<256x256xi1>, vector<256x256xf32>
    %jit3A_727 = arith.constant 0xFF800000 : f32
    %broadcast_in_dim3A_728 = vector.broadcast %jit3A_727 : f32 to vector<256x256xf32>
    %select_n3A_729 = arith.select %eq3A_719, %broadcast_in_dim3A_728, %select_n3A_694 : vector<256x256xi1>, vector<256x256xf32>
    %shift_right_logical3A_730 = arith.constant 4 : i32
    %shift_right_logical3A_731 = vector.broadcast %shift_right_logical3A_730 : i32 to vector<256x256xi32>
    %shift_right_logical3A_732 = arith.shrui %select_n3A_698, %shift_right_logical3A_731 : vector<256x256xi32>
    %select_n3A_733 = arith.select %eq3A_719, %shift_right_logical3A_732, %select_n3A_698 : vector<256x256xi1>, vector<256x256xi32>
    %and3A_734 = arith.constant 7 : i32
    %and3A_735 = vector.broadcast %and3A_734 : i32 to vector<256x256xi32>
    %and3A_736 = arith.andi %select_n3A_733, %and3A_735 : vector<256x256xi32>
    %convert_element_type3A_737 = arith.sitofp %and3A_736 : vector<256x256xi32> to vector<256x256xf32>
    %mul3A_738 = arith.constant 2.560000e+02 : f32
    %mul3A_739 = vector.broadcast %mul3A_738 : f32 to vector<256x256xf32>
    %mul3A_740 = arith.mulf %convert_element_type3A_737, %mul3A_739 : vector<256x256xf32>
    %add3A_741 = arith.addf %mul3A_740, %convert_element_type3A_247 : vector<256x256xf32>
    %reduce_max3A_742 = arith.constant dense<0xFF800000> : vector<256xf32>
    %reduce_max3A_743 = vector.multi_reduction <maximumf>, %select_n3A_720, %reduce_max3A_742 [1] : vector<256x256xf32> to vector<256xf32>
    %broadcast_in_dim3A_744 = vector.shape_cast %reduce_max3A_743 : vector<256xf32> to vector<256x1xf32>
    %eq3A_745 = vector.broadcast %broadcast_in_dim3A_744 : vector<256x1xf32> to vector<256x256xf32>
    %eq3A_746 = arith.cmpf oeq, %select_n3A_720, %eq3A_745 : vector<256x256xf32>
    %jit3A_747 = arith.constant 1.07374182E+9 : f32
    %broadcast_in_dim3A_748 = vector.broadcast %jit3A_747 : f32 to vector<256x256xf32>
    %select_n3A_749 = arith.select %eq3A_746, %add3A_741, %broadcast_in_dim3A_748 : vector<256x256xi1>, vector<256x256xf32>
    %reduce_min3A_750 = arith.constant dense<0x7F800000> : vector<256xf32>
    %reduce_min3A_751 = vector.multi_reduction <minimumf>, %select_n3A_749, %reduce_min3A_750 [1] : vector<256x256xf32> to vector<256xf32>
    %broadcast_in_dim3A_752 = vector.shape_cast %reduce_min3A_751 : vector<256xf32> to vector<256x1xf32>
    %eq3A_753 = vector.broadcast %broadcast_in_dim3A_752 : vector<256x1xf32> to vector<256x256xf32>
    %eq3A_754 = arith.cmpf oeq, %select_n3A_749, %eq3A_753 : vector<256x256xf32>
    %select_n3A_755 = arith.select %eq3A_754, %select_n3A_721, %select_n3A_720 : vector<256x256xi1>, vector<256x256xf32>
    %select_n3A_756 = arith.select %eq3A_754, %select_n3A_722, %select_n3A_721 : vector<256x256xi1>, vector<256x256xf32>
    %select_n3A_757 = arith.select %eq3A_754, %select_n3A_723, %select_n3A_722 : vector<256x256xi1>, vector<256x256xf32>
    %select_n3A_758 = arith.select %eq3A_754, %select_n3A_724, %select_n3A_723 : vector<256x256xi1>, vector<256x256xf32>
    %select_n3A_759 = arith.select %eq3A_754, %select_n3A_725, %select_n3A_724 : vector<256x256xi1>, vector<256x256xf32>
    %select_n3A_760 = arith.select %eq3A_754, %select_n3A_726, %select_n3A_725 : vector<256x256xi1>, vector<256x256xf32>
    %select_n3A_761 = arith.select %eq3A_754, %select_n3A_729, %select_n3A_726 : vector<256x256xi1>, vector<256x256xf32>
    %jit3A_762 = arith.constant 0xFF800000 : f32
    %broadcast_in_dim3A_763 = vector.broadcast %jit3A_762 : f32 to vector<256x256xf32>
    %select_n3A_764 = arith.select %eq3A_754, %broadcast_in_dim3A_763, %select_n3A_729 : vector<256x256xi1>, vector<256x256xf32>
    %shift_right_logical3A_765 = arith.constant 4 : i32
    %shift_right_logical3A_766 = vector.broadcast %shift_right_logical3A_765 : i32 to vector<256x256xi32>
    %shift_right_logical3A_767 = arith.shrui %select_n3A_733, %shift_right_logical3A_766 : vector<256x256xi32>
    %select_n3A_768 = arith.select %eq3A_754, %shift_right_logical3A_767, %select_n3A_733 : vector<256x256xi1>, vector<256x256xi32>
    %and3A_769 = arith.constant 7 : i32
    %and3A_770 = vector.broadcast %and3A_769 : i32 to vector<256x256xi32>
    %and3A_771 = arith.andi %select_n3A_768, %and3A_770 : vector<256x256xi32>
    %convert_element_type3A_772 = arith.sitofp %and3A_771 : vector<256x256xi32> to vector<256x256xf32>
    %mul3A_773 = arith.constant 2.560000e+02 : f32
    %mul3A_774 = vector.broadcast %mul3A_773 : f32 to vector<256x256xf32>
    %mul3A_775 = arith.mulf %convert_element_type3A_772, %mul3A_774 : vector<256x256xf32>
    %add3A_776 = arith.addf %mul3A_775, %convert_element_type3A_247 : vector<256x256xf32>
    %reduce_max3A_777 = arith.constant dense<0xFF800000> : vector<256xf32>
    %reduce_max3A_778 = vector.multi_reduction <maximumf>, %select_n3A_755, %reduce_max3A_777 [1] : vector<256x256xf32> to vector<256xf32>
    %broadcast_in_dim3A_779 = vector.shape_cast %reduce_max3A_778 : vector<256xf32> to vector<256x1xf32>
    %eq3A_780 = vector.broadcast %broadcast_in_dim3A_779 : vector<256x1xf32> to vector<256x256xf32>
    %eq3A_781 = arith.cmpf oeq, %select_n3A_755, %eq3A_780 : vector<256x256xf32>
    %jit3A_782 = arith.constant 1.07374182E+9 : f32
    %broadcast_in_dim3A_783 = vector.broadcast %jit3A_782 : f32 to vector<256x256xf32>
    %select_n3A_784 = arith.select %eq3A_781, %add3A_776, %broadcast_in_dim3A_783 : vector<256x256xi1>, vector<256x256xf32>
    %reduce_min3A_785 = arith.constant dense<0x7F800000> : vector<256xf32>
    %reduce_min3A_786 = vector.multi_reduction <minimumf>, %select_n3A_784, %reduce_min3A_785 [1] : vector<256x256xf32> to vector<256xf32>
    %broadcast_in_dim3A_787 = vector.shape_cast %reduce_min3A_786 : vector<256xf32> to vector<256x1xf32>
    %eq3A_788 = vector.broadcast %broadcast_in_dim3A_787 : vector<256x1xf32> to vector<256x256xf32>
    %eq3A_789 = arith.cmpf oeq, %select_n3A_784, %eq3A_788 : vector<256x256xf32>
    %select_n3A_790 = arith.select %eq3A_789, %select_n3A_756, %select_n3A_755 : vector<256x256xi1>, vector<256x256xf32>
    %select_n3A_791 = arith.select %eq3A_789, %select_n3A_757, %select_n3A_756 : vector<256x256xi1>, vector<256x256xf32>
    %select_n3A_792 = arith.select %eq3A_789, %select_n3A_758, %select_n3A_757 : vector<256x256xi1>, vector<256x256xf32>
    %select_n3A_793 = arith.select %eq3A_789, %select_n3A_759, %select_n3A_758 : vector<256x256xi1>, vector<256x256xf32>
    %select_n3A_794 = arith.select %eq3A_789, %select_n3A_760, %select_n3A_759 : vector<256x256xi1>, vector<256x256xf32>
    %select_n3A_795 = arith.select %eq3A_789, %select_n3A_761, %select_n3A_760 : vector<256x256xi1>, vector<256x256xf32>
    %select_n3A_796 = arith.select %eq3A_789, %select_n3A_764, %select_n3A_761 : vector<256x256xi1>, vector<256x256xf32>
    %jit3A_797 = arith.constant 0xFF800000 : f32
    %broadcast_in_dim3A_798 = vector.broadcast %jit3A_797 : f32 to vector<256x256xf32>
    %select_n3A_799 = arith.select %eq3A_789, %broadcast_in_dim3A_798, %select_n3A_764 : vector<256x256xi1>, vector<256x256xf32>
    %shift_right_logical3A_800 = arith.constant 4 : i32
    %shift_right_logical3A_801 = vector.broadcast %shift_right_logical3A_800 : i32 to vector<256x256xi32>
    %shift_right_logical3A_802 = arith.shrui %select_n3A_768, %shift_right_logical3A_801 : vector<256x256xi32>
    %select_n3A_803 = arith.select %eq3A_789, %shift_right_logical3A_802, %select_n3A_768 : vector<256x256xi1>, vector<256x256xi32>
    %and3A_804 = arith.constant 7 : i32
    %and3A_805 = vector.broadcast %and3A_804 : i32 to vector<256x256xi32>
    %and3A_806 = arith.andi %select_n3A_803, %and3A_805 : vector<256x256xi32>
    %convert_element_type3A_807 = arith.sitofp %and3A_806 : vector<256x256xi32> to vector<256x256xf32>
    %mul3A_808 = arith.constant 2.560000e+02 : f32
    %mul3A_809 = vector.broadcast %mul3A_808 : f32 to vector<256x256xf32>
    %mul3A_810 = arith.mulf %convert_element_type3A_807, %mul3A_809 : vector<256x256xf32>
    %add3A_811 = arith.addf %mul3A_810, %convert_element_type3A_247 : vector<256x256xf32>
    %reduce_max3A_812 = arith.constant dense<0xFF800000> : vector<256xf32>
    %reduce_max3A_813 = vector.multi_reduction <maximumf>, %select_n3A_790, %reduce_max3A_812 [1] : vector<256x256xf32> to vector<256xf32>
    %broadcast_in_dim3A_814 = vector.shape_cast %reduce_max3A_813 : vector<256xf32> to vector<256x1xf32>
    %eq3A_815 = vector.broadcast %broadcast_in_dim3A_814 : vector<256x1xf32> to vector<256x256xf32>
    %eq3A_816 = arith.cmpf oeq, %select_n3A_790, %eq3A_815 : vector<256x256xf32>
    %jit3A_817 = arith.constant 1.07374182E+9 : f32
    %broadcast_in_dim3A_818 = vector.broadcast %jit3A_817 : f32 to vector<256x256xf32>
    %select_n3A_819 = arith.select %eq3A_816, %add3A_811, %broadcast_in_dim3A_818 : vector<256x256xi1>, vector<256x256xf32>
    %reduce_min3A_820 = arith.constant dense<0x7F800000> : vector<256xf32>
    %reduce_min3A_821 = vector.multi_reduction <minimumf>, %select_n3A_819, %reduce_min3A_820 [1] : vector<256x256xf32> to vector<256xf32>
    %broadcast_in_dim3A_822 = vector.shape_cast %reduce_min3A_821 : vector<256xf32> to vector<256x1xf32>
    %eq3A_823 = vector.broadcast %broadcast_in_dim3A_822 : vector<256x1xf32> to vector<256x256xf32>
    %eq3A_824 = arith.cmpf oeq, %select_n3A_819, %eq3A_823 : vector<256x256xf32>
    %select_n3A_825 = arith.select %eq3A_824, %select_n3A_791, %select_n3A_790 : vector<256x256xi1>, vector<256x256xf32>
    %select_n3A_826 = arith.select %eq3A_824, %select_n3A_792, %select_n3A_791 : vector<256x256xi1>, vector<256x256xf32>
    %select_n3A_827 = arith.select %eq3A_824, %select_n3A_793, %select_n3A_792 : vector<256x256xi1>, vector<256x256xf32>
    %select_n3A_828 = arith.select %eq3A_824, %select_n3A_794, %select_n3A_793 : vector<256x256xi1>, vector<256x256xf32>
    %select_n3A_829 = arith.select %eq3A_824, %select_n3A_795, %select_n3A_794 : vector<256x256xi1>, vector<256x256xf32>
    %select_n3A_830 = arith.select %eq3A_824, %select_n3A_796, %select_n3A_795 : vector<256x256xi1>, vector<256x256xf32>
    %select_n3A_831 = arith.select %eq3A_824, %select_n3A_799, %select_n3A_796 : vector<256x256xi1>, vector<256x256xf32>
    %jit3A_832 = arith.constant 0xFF800000 : f32
    %broadcast_in_dim3A_833 = vector.broadcast %jit3A_832 : f32 to vector<256x256xf32>
    %select_n3A_834 = arith.select %eq3A_824, %broadcast_in_dim3A_833, %select_n3A_799 : vector<256x256xi1>, vector<256x256xf32>
    %shift_right_logical3A_835 = arith.constant 4 : i32
    %shift_right_logical3A_836 = vector.broadcast %shift_right_logical3A_835 : i32 to vector<256x256xi32>
    %shift_right_logical3A_837 = arith.shrui %select_n3A_803, %shift_right_logical3A_836 : vector<256x256xi32>
    %select_n3A_838 = arith.select %eq3A_824, %shift_right_logical3A_837, %select_n3A_803 : vector<256x256xi1>, vector<256x256xi32>
    %and3A_839 = arith.constant 7 : i32
    %and3A_840 = vector.broadcast %and3A_839 : i32 to vector<256x256xi32>
    %and3A_841 = arith.andi %select_n3A_838, %and3A_840 : vector<256x256xi32>
    %convert_element_type3A_842 = arith.sitofp %and3A_841 : vector<256x256xi32> to vector<256x256xf32>
    %mul3A_843 = arith.constant 2.560000e+02 : f32
    %mul3A_844 = vector.broadcast %mul3A_843 : f32 to vector<256x256xf32>
    %mul3A_845 = arith.mulf %convert_element_type3A_842, %mul3A_844 : vector<256x256xf32>
    %add3A_846 = arith.addf %mul3A_845, %convert_element_type3A_247 : vector<256x256xf32>
    %reduce_max3A_847 = arith.constant dense<0xFF800000> : vector<256xf32>
    %reduce_max3A_848 = vector.multi_reduction <maximumf>, %select_n3A_825, %reduce_max3A_847 [1] : vector<256x256xf32> to vector<256xf32>
    %broadcast_in_dim3A_849 = vector.shape_cast %reduce_max3A_848 : vector<256xf32> to vector<256x1xf32>
    %eq3A_850 = vector.broadcast %broadcast_in_dim3A_849 : vector<256x1xf32> to vector<256x256xf32>
    %eq3A_851 = arith.cmpf oeq, %select_n3A_825, %eq3A_850 : vector<256x256xf32>
    %jit3A_852 = arith.constant 1.07374182E+9 : f32
    %broadcast_in_dim3A_853 = vector.broadcast %jit3A_852 : f32 to vector<256x256xf32>
    %select_n3A_854 = arith.select %eq3A_851, %add3A_846, %broadcast_in_dim3A_853 : vector<256x256xi1>, vector<256x256xf32>
    %reduce_min3A_855 = arith.constant dense<0x7F800000> : vector<256xf32>
    %reduce_min3A_856 = vector.multi_reduction <minimumf>, %select_n3A_854, %reduce_min3A_855 [1] : vector<256x256xf32> to vector<256xf32>
    %broadcast_in_dim3A_857 = vector.shape_cast %reduce_min3A_856 : vector<256xf32> to vector<256x1xf32>
    %eq3A_858 = vector.broadcast %broadcast_in_dim3A_857 : vector<256x1xf32> to vector<256x256xf32>
    %eq3A_859 = arith.cmpf oeq, %select_n3A_854, %eq3A_858 : vector<256x256xf32>
    %select_n3A_860 = arith.select %eq3A_859, %select_n3A_826, %select_n3A_825 : vector<256x256xi1>, vector<256x256xf32>
    %select_n3A_861 = arith.select %eq3A_859, %select_n3A_827, %select_n3A_826 : vector<256x256xi1>, vector<256x256xf32>
    %select_n3A_862 = arith.select %eq3A_859, %select_n3A_828, %select_n3A_827 : vector<256x256xi1>, vector<256x256xf32>
    %select_n3A_863 = arith.select %eq3A_859, %select_n3A_829, %select_n3A_828 : vector<256x256xi1>, vector<256x256xf32>
    %select_n3A_864 = arith.select %eq3A_859, %select_n3A_830, %select_n3A_829 : vector<256x256xi1>, vector<256x256xf32>
    %select_n3A_865 = arith.select %eq3A_859, %select_n3A_831, %select_n3A_830 : vector<256x256xi1>, vector<256x256xf32>
    %select_n3A_866 = arith.select %eq3A_859, %select_n3A_834, %select_n3A_831 : vector<256x256xi1>, vector<256x256xf32>
    %jit3A_867 = arith.constant 0xFF800000 : f32
    %broadcast_in_dim3A_868 = vector.broadcast %jit3A_867 : f32 to vector<256x256xf32>
    %select_n3A_869 = arith.select %eq3A_859, %broadcast_in_dim3A_868, %select_n3A_834 : vector<256x256xi1>, vector<256x256xf32>
    %shift_right_logical3A_870 = arith.constant 4 : i32
    %shift_right_logical3A_871 = vector.broadcast %shift_right_logical3A_870 : i32 to vector<256x256xi32>
    %shift_right_logical3A_872 = arith.shrui %select_n3A_838, %shift_right_logical3A_871 : vector<256x256xi32>
    %select_n3A_873 = arith.select %eq3A_859, %shift_right_logical3A_872, %select_n3A_838 : vector<256x256xi1>, vector<256x256xi32>
    %and3A_874 = arith.constant 7 : i32
    %and3A_875 = vector.broadcast %and3A_874 : i32 to vector<256x256xi32>
    %and3A_876 = arith.andi %select_n3A_873, %and3A_875 : vector<256x256xi32>
    %convert_element_type3A_877 = arith.sitofp %and3A_876 : vector<256x256xi32> to vector<256x256xf32>
    %mul3A_878 = arith.constant 2.560000e+02 : f32
    %mul3A_879 = vector.broadcast %mul3A_878 : f32 to vector<256x256xf32>
    %mul3A_880 = arith.mulf %convert_element_type3A_877, %mul3A_879 : vector<256x256xf32>
    %add3A_881 = arith.addf %mul3A_880, %convert_element_type3A_247 : vector<256x256xf32>
    %reduce_max3A_882 = arith.constant dense<0xFF800000> : vector<256xf32>
    %reduce_max3A_883 = vector.multi_reduction <maximumf>, %select_n3A_860, %reduce_max3A_882 [1] : vector<256x256xf32> to vector<256xf32>
    %broadcast_in_dim3A_884 = vector.shape_cast %reduce_max3A_883 : vector<256xf32> to vector<256x1xf32>
    %eq3A_885 = vector.broadcast %broadcast_in_dim3A_884 : vector<256x1xf32> to vector<256x256xf32>
    %eq3A_886 = arith.cmpf oeq, %select_n3A_860, %eq3A_885 : vector<256x256xf32>
    %jit3A_887 = arith.constant 1.07374182E+9 : f32
    %broadcast_in_dim3A_888 = vector.broadcast %jit3A_887 : f32 to vector<256x256xf32>
    %select_n3A_889 = arith.select %eq3A_886, %add3A_881, %broadcast_in_dim3A_888 : vector<256x256xi1>, vector<256x256xf32>
    %reduce_min3A_890 = arith.constant dense<0x7F800000> : vector<256xf32>
    %reduce_min3A_891 = vector.multi_reduction <minimumf>, %select_n3A_889, %reduce_min3A_890 [1] : vector<256x256xf32> to vector<256xf32>
    %broadcast_in_dim3A_892 = vector.shape_cast %reduce_min3A_891 : vector<256xf32> to vector<256x1xf32>
    %eq3A_893 = vector.broadcast %broadcast_in_dim3A_892 : vector<256x1xf32> to vector<256x256xf32>
    %eq3A_894 = arith.cmpf oeq, %select_n3A_889, %eq3A_893 : vector<256x256xf32>
    %select_n3A_895 = arith.select %eq3A_894, %select_n3A_861, %select_n3A_860 : vector<256x256xi1>, vector<256x256xf32>
    %select_n3A_896 = arith.select %eq3A_894, %select_n3A_862, %select_n3A_861 : vector<256x256xi1>, vector<256x256xf32>
    %select_n3A_897 = arith.select %eq3A_894, %select_n3A_863, %select_n3A_862 : vector<256x256xi1>, vector<256x256xf32>
    %select_n3A_898 = arith.select %eq3A_894, %select_n3A_864, %select_n3A_863 : vector<256x256xi1>, vector<256x256xf32>
    %select_n3A_899 = arith.select %eq3A_894, %select_n3A_865, %select_n3A_864 : vector<256x256xi1>, vector<256x256xf32>
    %select_n3A_900 = arith.select %eq3A_894, %select_n3A_866, %select_n3A_865 : vector<256x256xi1>, vector<256x256xf32>
    %select_n3A_901 = arith.select %eq3A_894, %select_n3A_869, %select_n3A_866 : vector<256x256xi1>, vector<256x256xf32>
    %jit3A_902 = arith.constant 0xFF800000 : f32
    %broadcast_in_dim3A_903 = vector.broadcast %jit3A_902 : f32 to vector<256x256xf32>
    %select_n3A_904 = arith.select %eq3A_894, %broadcast_in_dim3A_903, %select_n3A_869 : vector<256x256xi1>, vector<256x256xf32>
    %shift_right_logical3A_905 = arith.constant 4 : i32
    %shift_right_logical3A_906 = vector.broadcast %shift_right_logical3A_905 : i32 to vector<256x256xi32>
    %shift_right_logical3A_907 = arith.shrui %select_n3A_873, %shift_right_logical3A_906 : vector<256x256xi32>
    %select_n3A_908 = arith.select %eq3A_894, %shift_right_logical3A_907, %select_n3A_873 : vector<256x256xi1>, vector<256x256xi32>
    %and3A_909 = arith.constant 7 : i32
    %and3A_910 = vector.broadcast %and3A_909 : i32 to vector<256x256xi32>
    %and3A_911 = arith.andi %select_n3A_908, %and3A_910 : vector<256x256xi32>
    %convert_element_type3A_912 = arith.sitofp %and3A_911 : vector<256x256xi32> to vector<256x256xf32>
    %mul3A_913 = arith.constant 2.560000e+02 : f32
    %mul3A_914 = vector.broadcast %mul3A_913 : f32 to vector<256x256xf32>
    %mul3A_915 = arith.mulf %convert_element_type3A_912, %mul3A_914 : vector<256x256xf32>
    %add3A_916 = arith.addf %mul3A_915, %convert_element_type3A_247 : vector<256x256xf32>
    %reduce_max3A_917 = arith.constant dense<0xFF800000> : vector<256xf32>
    %reduce_max3A_918 = vector.multi_reduction <maximumf>, %select_n3A_895, %reduce_max3A_917 [1] : vector<256x256xf32> to vector<256xf32>
    %broadcast_in_dim3A_919 = vector.shape_cast %reduce_max3A_918 : vector<256xf32> to vector<256x1xf32>
    %eq3A_920 = vector.broadcast %broadcast_in_dim3A_919 : vector<256x1xf32> to vector<256x256xf32>
    %eq3A_921 = arith.cmpf oeq, %select_n3A_895, %eq3A_920 : vector<256x256xf32>
    %jit3A_922 = arith.constant 1.07374182E+9 : f32
    %broadcast_in_dim3A_923 = vector.broadcast %jit3A_922 : f32 to vector<256x256xf32>
    %select_n3A_924 = arith.select %eq3A_921, %add3A_916, %broadcast_in_dim3A_923 : vector<256x256xi1>, vector<256x256xf32>
    %reduce_min3A_925 = arith.constant dense<0x7F800000> : vector<256xf32>
    %reduce_min3A_926 = vector.multi_reduction <minimumf>, %select_n3A_924, %reduce_min3A_925 [1] : vector<256x256xf32> to vector<256xf32>
    %broadcast_in_dim3A_927 = vector.shape_cast %reduce_min3A_926 : vector<256xf32> to vector<256x1xf32>
    %eq3A_928 = vector.broadcast %broadcast_in_dim3A_927 : vector<256x1xf32> to vector<256x256xf32>
    %eq3A_929 = arith.cmpf oeq, %select_n3A_924, %eq3A_928 : vector<256x256xf32>
    %select_n3A_930 = arith.select %eq3A_929, %select_n3A_896, %select_n3A_895 : vector<256x256xi1>, vector<256x256xf32>
    %select_n3A_931 = arith.select %eq3A_929, %select_n3A_897, %select_n3A_896 : vector<256x256xi1>, vector<256x256xf32>
    %select_n3A_932 = arith.select %eq3A_929, %select_n3A_898, %select_n3A_897 : vector<256x256xi1>, vector<256x256xf32>
    %select_n3A_933 = arith.select %eq3A_929, %select_n3A_899, %select_n3A_898 : vector<256x256xi1>, vector<256x256xf32>
    %select_n3A_934 = arith.select %eq3A_929, %select_n3A_900, %select_n3A_899 : vector<256x256xi1>, vector<256x256xf32>
    %select_n3A_935 = arith.select %eq3A_929, %select_n3A_901, %select_n3A_900 : vector<256x256xi1>, vector<256x256xf32>
    %select_n3A_936 = arith.select %eq3A_929, %select_n3A_904, %select_n3A_901 : vector<256x256xi1>, vector<256x256xf32>
    %jit3A_937 = arith.constant 0xFF800000 : f32
    %broadcast_in_dim3A_938 = vector.broadcast %jit3A_937 : f32 to vector<256x256xf32>
    %select_n3A_939 = arith.select %eq3A_929, %broadcast_in_dim3A_938, %select_n3A_904 : vector<256x256xi1>, vector<256x256xf32>
    %shift_right_logical3A_940 = arith.constant 4 : i32
    %shift_right_logical3A_941 = vector.broadcast %shift_right_logical3A_940 : i32 to vector<256x256xi32>
    %shift_right_logical3A_942 = arith.shrui %select_n3A_908, %shift_right_logical3A_941 : vector<256x256xi32>
    %select_n3A_943 = arith.select %eq3A_929, %shift_right_logical3A_942, %select_n3A_908 : vector<256x256xi1>, vector<256x256xi32>
    %and3A_944 = arith.constant 7 : i32
    %and3A_945 = vector.broadcast %and3A_944 : i32 to vector<256x256xi32>
    %and3A_946 = arith.andi %select_n3A_943, %and3A_945 : vector<256x256xi32>
    %convert_element_type3A_947 = arith.sitofp %and3A_946 : vector<256x256xi32> to vector<256x256xf32>
    %mul3A_948 = arith.constant 2.560000e+02 : f32
    %mul3A_949 = vector.broadcast %mul3A_948 : f32 to vector<256x256xf32>
    %mul3A_950 = arith.mulf %convert_element_type3A_947, %mul3A_949 : vector<256x256xf32>
    %add3A_951 = arith.addf %mul3A_950, %convert_element_type3A_247 : vector<256x256xf32>
    %reduce_max3A_952 = arith.constant dense<0xFF800000> : vector<256xf32>
    %reduce_max3A_953 = vector.multi_reduction <maximumf>, %select_n3A_930, %reduce_max3A_952 [1] : vector<256x256xf32> to vector<256xf32>
    %broadcast_in_dim3A_954 = vector.shape_cast %reduce_max3A_953 : vector<256xf32> to vector<256x1xf32>
    %eq3A_955 = vector.broadcast %broadcast_in_dim3A_954 : vector<256x1xf32> to vector<256x256xf32>
    %eq3A_956 = arith.cmpf oeq, %select_n3A_930, %eq3A_955 : vector<256x256xf32>
    %jit3A_957 = arith.constant 1.07374182E+9 : f32
    %broadcast_in_dim3A_958 = vector.broadcast %jit3A_957 : f32 to vector<256x256xf32>
    %select_n3A_959 = arith.select %eq3A_956, %add3A_951, %broadcast_in_dim3A_958 : vector<256x256xi1>, vector<256x256xf32>
    %reduce_min3A_960 = arith.constant dense<0x7F800000> : vector<256xf32>
    %reduce_min3A_961 = vector.multi_reduction <minimumf>, %select_n3A_959, %reduce_min3A_960 [1] : vector<256x256xf32> to vector<256xf32>
    %broadcast_in_dim3A_962 = vector.shape_cast %reduce_min3A_961 : vector<256xf32> to vector<256x1xf32>
    %eq3A_963 = vector.broadcast %broadcast_in_dim3A_962 : vector<256x1xf32> to vector<256x256xf32>
    %eq3A_964 = arith.cmpf oeq, %select_n3A_959, %eq3A_963 : vector<256x256xf32>
    %select_n3A_965 = arith.select %eq3A_964, %select_n3A_931, %select_n3A_930 : vector<256x256xi1>, vector<256x256xf32>
    %select_n3A_966 = arith.select %eq3A_964, %select_n3A_932, %select_n3A_931 : vector<256x256xi1>, vector<256x256xf32>
    %select_n3A_967 = arith.select %eq3A_964, %select_n3A_933, %select_n3A_932 : vector<256x256xi1>, vector<256x256xf32>
    %select_n3A_968 = arith.select %eq3A_964, %select_n3A_934, %select_n3A_933 : vector<256x256xi1>, vector<256x256xf32>
    %select_n3A_969 = arith.select %eq3A_964, %select_n3A_935, %select_n3A_934 : vector<256x256xi1>, vector<256x256xf32>
    %select_n3A_970 = arith.select %eq3A_964, %select_n3A_936, %select_n3A_935 : vector<256x256xi1>, vector<256x256xf32>
    %select_n3A_971 = arith.select %eq3A_964, %select_n3A_939, %select_n3A_936 : vector<256x256xi1>, vector<256x256xf32>
    %jit3A_972 = arith.constant 0xFF800000 : f32
    %broadcast_in_dim3A_973 = vector.broadcast %jit3A_972 : f32 to vector<256x256xf32>
    %select_n3A_974 = arith.select %eq3A_964, %broadcast_in_dim3A_973, %select_n3A_939 : vector<256x256xi1>, vector<256x256xf32>
    %shift_right_logical3A_975 = arith.constant 4 : i32
    %shift_right_logical3A_976 = vector.broadcast %shift_right_logical3A_975 : i32 to vector<256x256xi32>
    %shift_right_logical3A_977 = arith.shrui %select_n3A_943, %shift_right_logical3A_976 : vector<256x256xi32>
    %select_n3A_978 = arith.select %eq3A_964, %shift_right_logical3A_977, %select_n3A_943 : vector<256x256xi1>, vector<256x256xi32>
    %and3A_979 = arith.constant 7 : i32
    %and3A_980 = vector.broadcast %and3A_979 : i32 to vector<256x256xi32>
    %and3A_981 = arith.andi %select_n3A_978, %and3A_980 : vector<256x256xi32>
    %convert_element_type3A_982 = arith.sitofp %and3A_981 : vector<256x256xi32> to vector<256x256xf32>
    %mul3A_983 = arith.constant 2.560000e+02 : f32
    %mul3A_984 = vector.broadcast %mul3A_983 : f32 to vector<256x256xf32>
    %mul3A_985 = arith.mulf %convert_element_type3A_982, %mul3A_984 : vector<256x256xf32>
    %add3A_986 = arith.addf %mul3A_985, %convert_element_type3A_247 : vector<256x256xf32>
    %reduce_max3A_987 = arith.constant dense<0xFF800000> : vector<256xf32>
    %reduce_max3A_988 = vector.multi_reduction <maximumf>, %select_n3A_965, %reduce_max3A_987 [1] : vector<256x256xf32> to vector<256xf32>
    %broadcast_in_dim3A_989 = vector.shape_cast %reduce_max3A_988 : vector<256xf32> to vector<256x1xf32>
    %eq3A_990 = vector.broadcast %broadcast_in_dim3A_989 : vector<256x1xf32> to vector<256x256xf32>
    %eq3A_991 = arith.cmpf oeq, %select_n3A_965, %eq3A_990 : vector<256x256xf32>
    %jit3A_992 = arith.constant 1.07374182E+9 : f32
    %broadcast_in_dim3A_993 = vector.broadcast %jit3A_992 : f32 to vector<256x256xf32>
    %select_n3A_994 = arith.select %eq3A_991, %add3A_986, %broadcast_in_dim3A_993 : vector<256x256xi1>, vector<256x256xf32>
    %reduce_min3A_995 = arith.constant dense<0x7F800000> : vector<256xf32>
    %reduce_min3A_996 = vector.multi_reduction <minimumf>, %select_n3A_994, %reduce_min3A_995 [1] : vector<256x256xf32> to vector<256xf32>
    %broadcast_in_dim3A_997 = vector.shape_cast %reduce_min3A_996 : vector<256xf32> to vector<256x1xf32>
    %eq3A_998 = vector.broadcast %broadcast_in_dim3A_997 : vector<256x1xf32> to vector<256x256xf32>
    %eq3A_999 = arith.cmpf oeq, %select_n3A_994, %eq3A_998 : vector<256x256xf32>
    %select_n3A_1000 = arith.select %eq3A_999, %select_n3A_966, %select_n3A_965 : vector<256x256xi1>, vector<256x256xf32>
    %select_n3A_1001 = arith.select %eq3A_999, %select_n3A_967, %select_n3A_966 : vector<256x256xi1>, vector<256x256xf32>
    %select_n3A_1002 = arith.select %eq3A_999, %select_n3A_968, %select_n3A_967 : vector<256x256xi1>, vector<256x256xf32>
    %select_n3A_1003 = arith.select %eq3A_999, %select_n3A_969, %select_n3A_968 : vector<256x256xi1>, vector<256x256xf32>
    %select_n3A_1004 = arith.select %eq3A_999, %select_n3A_970, %select_n3A_969 : vector<256x256xi1>, vector<256x256xf32>
    %select_n3A_1005 = arith.select %eq3A_999, %select_n3A_971, %select_n3A_970 : vector<256x256xi1>, vector<256x256xf32>
    %select_n3A_1006 = arith.select %eq3A_999, %select_n3A_974, %select_n3A_971 : vector<256x256xi1>, vector<256x256xf32>
    %jit3A_1007 = arith.constant 0xFF800000 : f32
    %broadcast_in_dim3A_1008 = vector.broadcast %jit3A_1007 : f32 to vector<256x256xf32>
    %select_n3A_1009 = arith.select %eq3A_999, %broadcast_in_dim3A_1008, %select_n3A_974 : vector<256x256xi1>, vector<256x256xf32>
    %shift_right_logical3A_1010 = arith.constant 4 : i32
    %shift_right_logical3A_1011 = vector.broadcast %shift_right_logical3A_1010 : i32 to vector<256x256xi32>
    %shift_right_logical3A_1012 = arith.shrui %select_n3A_978, %shift_right_logical3A_1011 : vector<256x256xi32>
    %select_n3A_1013 = arith.select %eq3A_999, %shift_right_logical3A_1012, %select_n3A_978 : vector<256x256xi1>, vector<256x256xi32>
    %and3A_1014 = arith.constant 7 : i32
    %and3A_1015 = vector.broadcast %and3A_1014 : i32 to vector<256x256xi32>
    %and3A_1016 = arith.andi %select_n3A_1013, %and3A_1015 : vector<256x256xi32>
    %convert_element_type3A_1017 = arith.sitofp %and3A_1016 : vector<256x256xi32> to vector<256x256xf32>
    %mul3A_1018 = arith.constant 2.560000e+02 : f32
    %mul3A_1019 = vector.broadcast %mul3A_1018 : f32 to vector<256x256xf32>
    %mul3A_1020 = arith.mulf %convert_element_type3A_1017, %mul3A_1019 : vector<256x256xf32>
    %add3A_1021 = arith.addf %mul3A_1020, %convert_element_type3A_247 : vector<256x256xf32>
    %reduce_max3A_1022 = arith.constant dense<0xFF800000> : vector<256xf32>
    %reduce_max3A_1023 = vector.multi_reduction <maximumf>, %select_n3A_1000, %reduce_max3A_1022 [1] : vector<256x256xf32> to vector<256xf32>
    %broadcast_in_dim3A_1024 = vector.shape_cast %reduce_max3A_1023 : vector<256xf32> to vector<256x1xf32>
    %eq3A_1025 = vector.broadcast %broadcast_in_dim3A_1024 : vector<256x1xf32> to vector<256x256xf32>
    %eq3A_1026 = arith.cmpf oeq, %select_n3A_1000, %eq3A_1025 : vector<256x256xf32>
    %jit3A_1027 = arith.constant 1.07374182E+9 : f32
    %broadcast_in_dim3A_1028 = vector.broadcast %jit3A_1027 : f32 to vector<256x256xf32>
    %select_n3A_1029 = arith.select %eq3A_1026, %add3A_1021, %broadcast_in_dim3A_1028 : vector<256x256xi1>, vector<256x256xf32>
    %reduce_min3A_1030 = arith.constant dense<0x7F800000> : vector<256xf32>
    %reduce_min3A_1031 = vector.multi_reduction <minimumf>, %select_n3A_1029, %reduce_min3A_1030 [1] : vector<256x256xf32> to vector<256xf32>
    %broadcast_in_dim3A_1032 = vector.shape_cast %reduce_min3A_1031 : vector<256xf32> to vector<256x1xf32>
    %eq3A_1033 = vector.broadcast %broadcast_in_dim3A_1032 : vector<256x1xf32> to vector<256x256xf32>
    %eq3A_1034 = arith.cmpf oeq, %select_n3A_1029, %eq3A_1033 : vector<256x256xf32>
    %select_n3A_1035 = arith.select %eq3A_1034, %select_n3A_1001, %select_n3A_1000 : vector<256x256xi1>, vector<256x256xf32>
    %select_n3A_1036 = arith.select %eq3A_1034, %select_n3A_1002, %select_n3A_1001 : vector<256x256xi1>, vector<256x256xf32>
    %select_n3A_1037 = arith.select %eq3A_1034, %select_n3A_1003, %select_n3A_1002 : vector<256x256xi1>, vector<256x256xf32>
    %select_n3A_1038 = arith.select %eq3A_1034, %select_n3A_1004, %select_n3A_1003 : vector<256x256xi1>, vector<256x256xf32>
    %select_n3A_1039 = arith.select %eq3A_1034, %select_n3A_1005, %select_n3A_1004 : vector<256x256xi1>, vector<256x256xf32>
    %select_n3A_1040 = arith.select %eq3A_1034, %select_n3A_1006, %select_n3A_1005 : vector<256x256xi1>, vector<256x256xf32>
    %select_n3A_1041 = arith.select %eq3A_1034, %select_n3A_1009, %select_n3A_1006 : vector<256x256xi1>, vector<256x256xf32>
    %shift_right_logical3A_1042 = arith.constant 4 : i32
    %shift_right_logical3A_1043 = vector.broadcast %shift_right_logical3A_1042 : i32 to vector<256x256xi32>
    %shift_right_logical3A_1044 = arith.shrui %select_n3A_1013, %shift_right_logical3A_1043 : vector<256x256xi32>
    %select_n3A_1045 = arith.select %eq3A_1034, %shift_right_logical3A_1044, %select_n3A_1013 : vector<256x256xi1>, vector<256x256xi32>
    %and3A_1046 = arith.constant 7 : i32
    %and3A_1047 = vector.broadcast %and3A_1046 : i32 to vector<256x256xi32>
    %and3A_1048 = arith.andi %select_n3A_1045, %and3A_1047 : vector<256x256xi32>
    %convert_element_type3A_1049 = arith.sitofp %and3A_1048 : vector<256x256xi32> to vector<256x256xf32>
    %mul3A_1050 = arith.constant 2.560000e+02 : f32
    %mul3A_1051 = vector.broadcast %mul3A_1050 : f32 to vector<256x256xf32>
    %mul3A_1052 = arith.mulf %convert_element_type3A_1049, %mul3A_1051 : vector<256x256xf32>
    %add3A_1053 = arith.addf %mul3A_1052, %convert_element_type3A_247 : vector<256x256xf32>
    %reduce_max3A_1054 = arith.constant dense<0xFF800000> : vector<256xf32>
    %reduce_max3A_1055 = vector.multi_reduction <maximumf>, %select_n3A_1035, %reduce_max3A_1054 [1] : vector<256x256xf32> to vector<256xf32>
    %broadcast_in_dim3A_1056 = vector.shape_cast %reduce_max3A_1055 : vector<256xf32> to vector<256x1xf32>
    %eq3A_1057 = vector.broadcast %broadcast_in_dim3A_1056 : vector<256x1xf32> to vector<256x256xf32>
    %eq3A_1058 = arith.cmpf oeq, %select_n3A_1035, %eq3A_1057 : vector<256x256xf32>
    %jit3A_1059 = arith.constant 1.07374182E+9 : f32
    %broadcast_in_dim3A_1060 = vector.broadcast %jit3A_1059 : f32 to vector<256x256xf32>
    %select_n3A_1061 = arith.select %eq3A_1058, %add3A_1053, %broadcast_in_dim3A_1060 : vector<256x256xi1>, vector<256x256xf32>
    %reduce_min3A_1062 = arith.constant dense<0x7F800000> : vector<256xf32>
    %reduce_min3A_1063 = vector.multi_reduction <minimumf>, %select_n3A_1061, %reduce_min3A_1062 [1] : vector<256x256xf32> to vector<256xf32>
    %broadcast_in_dim3A_1064 = vector.shape_cast %reduce_min3A_1063 : vector<256xf32> to vector<256x1xf32>
    %eq3A_1065 = vector.broadcast %broadcast_in_dim3A_1064 : vector<256x1xf32> to vector<256x256xf32>
    %eq3A_1066 = arith.cmpf oeq, %select_n3A_1061, %eq3A_1065 : vector<256x256xf32>
    %select_n3A_1067 = arith.select %eq3A_1066, %select_n3A_1036, %select_n3A_1035 : vector<256x256xi1>, vector<256x256xf32>
    %select_n3A_1068 = arith.select %eq3A_1066, %select_n3A_1037, %select_n3A_1036 : vector<256x256xi1>, vector<256x256xf32>
    %select_n3A_1069 = arith.select %eq3A_1066, %select_n3A_1038, %select_n3A_1037 : vector<256x256xi1>, vector<256x256xf32>
    %select_n3A_1070 = arith.select %eq3A_1066, %select_n3A_1039, %select_n3A_1038 : vector<256x256xi1>, vector<256x256xf32>
    %select_n3A_1071 = arith.select %eq3A_1066, %select_n3A_1040, %select_n3A_1039 : vector<256x256xi1>, vector<256x256xf32>
    %select_n3A_1072 = arith.select %eq3A_1066, %select_n3A_1041, %select_n3A_1040 : vector<256x256xi1>, vector<256x256xf32>
    %shift_right_logical3A_1073 = arith.constant 4 : i32
    %shift_right_logical3A_1074 = vector.broadcast %shift_right_logical3A_1073 : i32 to vector<256x256xi32>
    %shift_right_logical3A_1075 = arith.shrui %select_n3A_1045, %shift_right_logical3A_1074 : vector<256x256xi32>
    %select_n3A_1076 = arith.select %eq3A_1066, %shift_right_logical3A_1075, %select_n3A_1045 : vector<256x256xi1>, vector<256x256xi32>
    %and3A_1077 = arith.constant 7 : i32
    %and3A_1078 = vector.broadcast %and3A_1077 : i32 to vector<256x256xi32>
    %and3A_1079 = arith.andi %select_n3A_1076, %and3A_1078 : vector<256x256xi32>
    %convert_element_type3A_1080 = arith.sitofp %and3A_1079 : vector<256x256xi32> to vector<256x256xf32>
    %mul3A_1081 = arith.constant 2.560000e+02 : f32
    %mul3A_1082 = vector.broadcast %mul3A_1081 : f32 to vector<256x256xf32>
    %mul3A_1083 = arith.mulf %convert_element_type3A_1080, %mul3A_1082 : vector<256x256xf32>
    %add3A_1084 = arith.addf %mul3A_1083, %convert_element_type3A_247 : vector<256x256xf32>
    %reduce_max3A_1085 = arith.constant dense<0xFF800000> : vector<256xf32>
    %reduce_max3A_1086 = vector.multi_reduction <maximumf>, %select_n3A_1067, %reduce_max3A_1085 [1] : vector<256x256xf32> to vector<256xf32>
    %broadcast_in_dim3A_1087 = vector.shape_cast %reduce_max3A_1086 : vector<256xf32> to vector<256x1xf32>
    %eq3A_1088 = vector.broadcast %broadcast_in_dim3A_1087 : vector<256x1xf32> to vector<256x256xf32>
    %eq3A_1089 = arith.cmpf oeq, %select_n3A_1067, %eq3A_1088 : vector<256x256xf32>
    %jit3A_1090 = arith.constant 1.07374182E+9 : f32
    %broadcast_in_dim3A_1091 = vector.broadcast %jit3A_1090 : f32 to vector<256x256xf32>
    %select_n3A_1092 = arith.select %eq3A_1089, %add3A_1084, %broadcast_in_dim3A_1091 : vector<256x256xi1>, vector<256x256xf32>
    %reduce_min3A_1093 = arith.constant dense<0x7F800000> : vector<256xf32>
    %reduce_min3A_1094 = vector.multi_reduction <minimumf>, %select_n3A_1092, %reduce_min3A_1093 [1] : vector<256x256xf32> to vector<256xf32>
    %broadcast_in_dim3A_1095 = vector.shape_cast %reduce_min3A_1094 : vector<256xf32> to vector<256x1xf32>
    %eq3A_1096 = vector.broadcast %broadcast_in_dim3A_1095 : vector<256x1xf32> to vector<256x256xf32>
    %eq3A_1097 = arith.cmpf oeq, %select_n3A_1092, %eq3A_1096 : vector<256x256xf32>
    %select_n3A_1098 = arith.select %eq3A_1097, %select_n3A_1068, %select_n3A_1067 : vector<256x256xi1>, vector<256x256xf32>
    %select_n3A_1099 = arith.select %eq3A_1097, %select_n3A_1069, %select_n3A_1068 : vector<256x256xi1>, vector<256x256xf32>
    %select_n3A_1100 = arith.select %eq3A_1097, %select_n3A_1070, %select_n3A_1069 : vector<256x256xi1>, vector<256x256xf32>
    %select_n3A_1101 = arith.select %eq3A_1097, %select_n3A_1071, %select_n3A_1070 : vector<256x256xi1>, vector<256x256xf32>
    %select_n3A_1102 = arith.select %eq3A_1097, %select_n3A_1072, %select_n3A_1071 : vector<256x256xi1>, vector<256x256xf32>
    %shift_right_logical3A_1103 = arith.constant 4 : i32
    %shift_right_logical3A_1104 = vector.broadcast %shift_right_logical3A_1103 : i32 to vector<256x256xi32>
    %shift_right_logical3A_1105 = arith.shrui %select_n3A_1076, %shift_right_logical3A_1104 : vector<256x256xi32>
    %select_n3A_1106 = arith.select %eq3A_1097, %shift_right_logical3A_1105, %select_n3A_1076 : vector<256x256xi1>, vector<256x256xi32>
    %and3A_1107 = arith.constant 7 : i32
    %and3A_1108 = vector.broadcast %and3A_1107 : i32 to vector<256x256xi32>
    %and3A_1109 = arith.andi %select_n3A_1106, %and3A_1108 : vector<256x256xi32>
    %convert_element_type3A_1110 = arith.sitofp %and3A_1109 : vector<256x256xi32> to vector<256x256xf32>
    %mul3A_1111 = arith.constant 2.560000e+02 : f32
    %mul3A_1112 = vector.broadcast %mul3A_1111 : f32 to vector<256x256xf32>
    %mul3A_1113 = arith.mulf %convert_element_type3A_1110, %mul3A_1112 : vector<256x256xf32>
    %add3A_1114 = arith.addf %mul3A_1113, %convert_element_type3A_247 : vector<256x256xf32>
    %reduce_max3A_1115 = arith.constant dense<0xFF800000> : vector<256xf32>
    %reduce_max3A_1116 = vector.multi_reduction <maximumf>, %select_n3A_1098, %reduce_max3A_1115 [1] : vector<256x256xf32> to vector<256xf32>
    %broadcast_in_dim3A_1117 = vector.shape_cast %reduce_max3A_1116 : vector<256xf32> to vector<256x1xf32>
    %eq3A_1118 = vector.broadcast %broadcast_in_dim3A_1117 : vector<256x1xf32> to vector<256x256xf32>
    %eq3A_1119 = arith.cmpf oeq, %select_n3A_1098, %eq3A_1118 : vector<256x256xf32>
    %jit3A_1120 = arith.constant 1.07374182E+9 : f32
    %broadcast_in_dim3A_1121 = vector.broadcast %jit3A_1120 : f32 to vector<256x256xf32>
    %select_n3A_1122 = arith.select %eq3A_1119, %add3A_1114, %broadcast_in_dim3A_1121 : vector<256x256xi1>, vector<256x256xf32>
    %reduce_min3A_1123 = arith.constant dense<0x7F800000> : vector<256xf32>
    %reduce_min3A_1124 = vector.multi_reduction <minimumf>, %select_n3A_1122, %reduce_min3A_1123 [1] : vector<256x256xf32> to vector<256xf32>
    %broadcast_in_dim3A_1125 = vector.shape_cast %reduce_min3A_1124 : vector<256xf32> to vector<256x1xf32>
    %eq3A_1126 = vector.broadcast %broadcast_in_dim3A_1125 : vector<256x1xf32> to vector<256x256xf32>
    %eq3A_1127 = arith.cmpf oeq, %select_n3A_1122, %eq3A_1126 : vector<256x256xf32>
    %select_n3A_1128 = arith.select %eq3A_1127, %select_n3A_1099, %select_n3A_1098 : vector<256x256xi1>, vector<256x256xf32>
    %select_n3A_1129 = arith.select %eq3A_1127, %select_n3A_1100, %select_n3A_1099 : vector<256x256xi1>, vector<256x256xf32>
    %select_n3A_1130 = arith.select %eq3A_1127, %select_n3A_1101, %select_n3A_1100 : vector<256x256xi1>, vector<256x256xf32>
    %select_n3A_1131 = arith.select %eq3A_1127, %select_n3A_1102, %select_n3A_1101 : vector<256x256xi1>, vector<256x256xf32>
    %shift_right_logical3A_1132 = arith.constant 4 : i32
    %shift_right_logical3A_1133 = vector.broadcast %shift_right_logical3A_1132 : i32 to vector<256x256xi32>
    %shift_right_logical3A_1134 = arith.shrui %select_n3A_1106, %shift_right_logical3A_1133 : vector<256x256xi32>
    %select_n3A_1135 = arith.select %eq3A_1127, %shift_right_logical3A_1134, %select_n3A_1106 : vector<256x256xi1>, vector<256x256xi32>
    %and3A_1136 = arith.constant 7 : i32
    %and3A_1137 = vector.broadcast %and3A_1136 : i32 to vector<256x256xi32>
    %and3A_1138 = arith.andi %select_n3A_1135, %and3A_1137 : vector<256x256xi32>
    %convert_element_type3A_1139 = arith.sitofp %and3A_1138 : vector<256x256xi32> to vector<256x256xf32>
    %mul3A_1140 = arith.constant 2.560000e+02 : f32
    %mul3A_1141 = vector.broadcast %mul3A_1140 : f32 to vector<256x256xf32>
    %mul3A_1142 = arith.mulf %convert_element_type3A_1139, %mul3A_1141 : vector<256x256xf32>
    %add3A_1143 = arith.addf %mul3A_1142, %convert_element_type3A_247 : vector<256x256xf32>
    %reduce_max3A_1144 = arith.constant dense<0xFF800000> : vector<256xf32>
    %reduce_max3A_1145 = vector.multi_reduction <maximumf>, %select_n3A_1128, %reduce_max3A_1144 [1] : vector<256x256xf32> to vector<256xf32>
    %broadcast_in_dim3A_1146 = vector.shape_cast %reduce_max3A_1145 : vector<256xf32> to vector<256x1xf32>
    %eq3A_1147 = vector.broadcast %broadcast_in_dim3A_1146 : vector<256x1xf32> to vector<256x256xf32>
    %eq3A_1148 = arith.cmpf oeq, %select_n3A_1128, %eq3A_1147 : vector<256x256xf32>
    %jit3A_1149 = arith.constant 1.07374182E+9 : f32
    %broadcast_in_dim3A_1150 = vector.broadcast %jit3A_1149 : f32 to vector<256x256xf32>
    %select_n3A_1151 = arith.select %eq3A_1148, %add3A_1143, %broadcast_in_dim3A_1150 : vector<256x256xi1>, vector<256x256xf32>
    %reduce_min3A_1152 = arith.constant dense<0x7F800000> : vector<256xf32>
    %reduce_min3A_1153 = vector.multi_reduction <minimumf>, %select_n3A_1151, %reduce_min3A_1152 [1] : vector<256x256xf32> to vector<256xf32>
    %broadcast_in_dim3A_1154 = vector.shape_cast %reduce_min3A_1153 : vector<256xf32> to vector<256x1xf32>
    %eq3A_1155 = vector.broadcast %broadcast_in_dim3A_1154 : vector<256x1xf32> to vector<256x256xf32>
    %eq3A_1156 = arith.cmpf oeq, %select_n3A_1151, %eq3A_1155 : vector<256x256xf32>
    %select_n3A_1157 = arith.select %eq3A_1156, %select_n3A_1129, %select_n3A_1128 : vector<256x256xi1>, vector<256x256xf32>
    %select_n3A_1158 = arith.select %eq3A_1156, %select_n3A_1130, %select_n3A_1129 : vector<256x256xi1>, vector<256x256xf32>
    %select_n3A_1159 = arith.select %eq3A_1156, %select_n3A_1131, %select_n3A_1130 : vector<256x256xi1>, vector<256x256xf32>
    %shift_right_logical3A_1160 = arith.constant 4 : i32
    %shift_right_logical3A_1161 = vector.broadcast %shift_right_logical3A_1160 : i32 to vector<256x256xi32>
    %shift_right_logical3A_1162 = arith.shrui %select_n3A_1135, %shift_right_logical3A_1161 : vector<256x256xi32>
    %select_n3A_1163 = arith.select %eq3A_1156, %shift_right_logical3A_1162, %select_n3A_1135 : vector<256x256xi1>, vector<256x256xi32>
    %and3A_1164 = arith.constant 7 : i32
    %and3A_1165 = vector.broadcast %and3A_1164 : i32 to vector<256x256xi32>
    %and3A_1166 = arith.andi %select_n3A_1163, %and3A_1165 : vector<256x256xi32>
    %convert_element_type3A_1167 = arith.sitofp %and3A_1166 : vector<256x256xi32> to vector<256x256xf32>
    %mul3A_1168 = arith.constant 2.560000e+02 : f32
    %mul3A_1169 = vector.broadcast %mul3A_1168 : f32 to vector<256x256xf32>
    %mul3A_1170 = arith.mulf %convert_element_type3A_1167, %mul3A_1169 : vector<256x256xf32>
    %add3A_1171 = arith.addf %mul3A_1170, %convert_element_type3A_247 : vector<256x256xf32>
    %reduce_max3A_1172 = arith.constant dense<0xFF800000> : vector<256xf32>
    %reduce_max3A_1173 = vector.multi_reduction <maximumf>, %select_n3A_1157, %reduce_max3A_1172 [1] : vector<256x256xf32> to vector<256xf32>
    %broadcast_in_dim3A_1174 = vector.shape_cast %reduce_max3A_1173 : vector<256xf32> to vector<256x1xf32>
    %eq3A_1175 = vector.broadcast %broadcast_in_dim3A_1174 : vector<256x1xf32> to vector<256x256xf32>
    %eq3A_1176 = arith.cmpf oeq, %select_n3A_1157, %eq3A_1175 : vector<256x256xf32>
    %jit3A_1177 = arith.constant 1.07374182E+9 : f32
    %broadcast_in_dim3A_1178 = vector.broadcast %jit3A_1177 : f32 to vector<256x256xf32>
    %select_n3A_1179 = arith.select %eq3A_1176, %add3A_1171, %broadcast_in_dim3A_1178 : vector<256x256xi1>, vector<256x256xf32>
    %reduce_min3A_1180 = arith.constant dense<0x7F800000> : vector<256xf32>
    %reduce_min3A_1181 = vector.multi_reduction <minimumf>, %select_n3A_1179, %reduce_min3A_1180 [1] : vector<256x256xf32> to vector<256xf32>
    %broadcast_in_dim3A_1182 = vector.shape_cast %reduce_min3A_1181 : vector<256xf32> to vector<256x1xf32>
    %eq3A_1183 = vector.broadcast %broadcast_in_dim3A_1182 : vector<256x1xf32> to vector<256x256xf32>
    %eq3A_1184 = arith.cmpf oeq, %select_n3A_1179, %eq3A_1183 : vector<256x256xf32>
    %select_n3A_1185 = arith.select %eq3A_1184, %select_n3A_1158, %select_n3A_1157 : vector<256x256xi1>, vector<256x256xf32>
    %select_n3A_1186 = arith.select %eq3A_1184, %select_n3A_1159, %select_n3A_1158 : vector<256x256xi1>, vector<256x256xf32>
    %shift_right_logical3A_1187 = arith.constant 4 : i32
    %shift_right_logical3A_1188 = vector.broadcast %shift_right_logical3A_1187 : i32 to vector<256x256xi32>
    %shift_right_logical3A_1189 = arith.shrui %select_n3A_1163, %shift_right_logical3A_1188 : vector<256x256xi32>
    %select_n3A_1190 = arith.select %eq3A_1184, %shift_right_logical3A_1189, %select_n3A_1163 : vector<256x256xi1>, vector<256x256xi32>
    %and3A_1191 = arith.constant 7 : i32
    %and3A_1192 = vector.broadcast %and3A_1191 : i32 to vector<256x256xi32>
    %and3A_1193 = arith.andi %select_n3A_1190, %and3A_1192 : vector<256x256xi32>
    %convert_element_type3A_1194 = arith.sitofp %and3A_1193 : vector<256x256xi32> to vector<256x256xf32>
    %mul3A_1195 = arith.constant 2.560000e+02 : f32
    %mul3A_1196 = vector.broadcast %mul3A_1195 : f32 to vector<256x256xf32>
    %mul3A_1197 = arith.mulf %convert_element_type3A_1194, %mul3A_1196 : vector<256x256xf32>
    %add3A_1198 = arith.addf %mul3A_1197, %convert_element_type3A_247 : vector<256x256xf32>
    %reduce_max3A_1199 = arith.constant dense<0xFF800000> : vector<256xf32>
    %reduce_max3A_1200 = vector.multi_reduction <maximumf>, %select_n3A_1185, %reduce_max3A_1199 [1] : vector<256x256xf32> to vector<256xf32>
    %broadcast_in_dim3A_1201 = vector.shape_cast %reduce_max3A_1200 : vector<256xf32> to vector<256x1xf32>
    %eq3A_1202 = vector.broadcast %broadcast_in_dim3A_1201 : vector<256x1xf32> to vector<256x256xf32>
    %eq3A_1203 = arith.cmpf oeq, %select_n3A_1185, %eq3A_1202 : vector<256x256xf32>
    %jit3A_1204 = arith.constant 1.07374182E+9 : f32
    %broadcast_in_dim3A_1205 = vector.broadcast %jit3A_1204 : f32 to vector<256x256xf32>
    %select_n3A_1206 = arith.select %eq3A_1203, %add3A_1198, %broadcast_in_dim3A_1205 : vector<256x256xi1>, vector<256x256xf32>
    %reduce_min3A_1207 = arith.constant dense<0x7F800000> : vector<256xf32>
    %reduce_min3A_1208 = vector.multi_reduction <minimumf>, %select_n3A_1206, %reduce_min3A_1207 [1] : vector<256x256xf32> to vector<256xf32>
    %broadcast_in_dim3A_1209 = vector.shape_cast %reduce_min3A_1208 : vector<256xf32> to vector<256x1xf32>
    %eq3A_1210 = vector.broadcast %broadcast_in_dim3A_1209 : vector<256x1xf32> to vector<256x256xf32>
    %eq3A_1211 = arith.cmpf oeq, %select_n3A_1206, %eq3A_1210 : vector<256x256xf32>
    %select_n3A_1212 = arith.select %eq3A_1211, %select_n3A_1186, %select_n3A_1185 : vector<256x256xi1>, vector<256x256xf32>
    %shift_right_logical3A_1213 = arith.constant 4 : i32
    %shift_right_logical3A_1214 = vector.broadcast %shift_right_logical3A_1213 : i32 to vector<256x256xi32>
    %shift_right_logical3A_1215 = arith.shrui %select_n3A_1190, %shift_right_logical3A_1214 : vector<256x256xi32>
    %select_n3A_1216 = arith.select %eq3A_1211, %shift_right_logical3A_1215, %select_n3A_1190 : vector<256x256xi1>, vector<256x256xi32>
    %and3A_1217 = arith.constant 7 : i32
    %and3A_1218 = vector.broadcast %and3A_1217 : i32 to vector<256x256xi32>
    %and3A_1219 = arith.andi %select_n3A_1216, %and3A_1218 : vector<256x256xi32>
    %convert_element_type3A_1220 = arith.sitofp %and3A_1219 : vector<256x256xi32> to vector<256x256xf32>
    %mul3A_1221 = arith.constant 2.560000e+02 : f32
    %mul3A_1222 = vector.broadcast %mul3A_1221 : f32 to vector<256x256xf32>
    %mul3A_1223 = arith.mulf %convert_element_type3A_1220, %mul3A_1222 : vector<256x256xf32>
    %add3A_1224 = arith.addf %mul3A_1223, %convert_element_type3A_247 : vector<256x256xf32>
    %reduce_max3A_1225 = arith.constant dense<0xFF800000> : vector<256xf32>
    %reduce_max3A_1226 = vector.multi_reduction <maximumf>, %select_n3A_1212, %reduce_max3A_1225 [1] : vector<256x256xf32> to vector<256xf32>
    %broadcast_in_dim3A_1227 = vector.shape_cast %reduce_max3A_1226 : vector<256xf32> to vector<256x1xf32>
    %eq3A_1228 = vector.broadcast %broadcast_in_dim3A_1227 : vector<256x1xf32> to vector<256x256xf32>
    %eq3A_1229 = arith.cmpf oeq, %select_n3A_1212, %eq3A_1228 : vector<256x256xf32>
    %jit3A_1230 = arith.constant 1.07374182E+9 : f32
    %broadcast_in_dim3A_1231 = vector.broadcast %jit3A_1230 : f32 to vector<256x256xf32>
    %select_n3A_1232 = arith.select %eq3A_1229, %add3A_1224, %broadcast_in_dim3A_1231 : vector<256x256xi1>, vector<256x256xf32>
    %reduce_min3A_1233 = arith.constant dense<0x7F800000> : vector<256xf32>
    %reduce_min3A_1234 = vector.multi_reduction <minimumf>, %select_n3A_1232, %reduce_min3A_1233 [1] : vector<256x256xf32> to vector<256xf32>
    %broadcast_in_dim3A_1235 = vector.shape_cast %reduce_min3A_1234 : vector<256xf32> to vector<256x1xf32>
    %broadcast_in_dim3A_1236 = arith.constant 0.000000e+00 : f32
    %broadcast_in_dim3A_1237 = vector.broadcast %broadcast_in_dim3A_1236 : f32 to vector<256x1xf32>
    %broadcast_in_dim3A_1238 = arith.constant 0.000000e+00 : f32
    %broadcast_in_dim3A_1239 = vector.broadcast %broadcast_in_dim3A_1238 : f32 to vector<256x1xf32>
    %concatenate3A = tpu.concatenate %broadcast_in_dim3A_263, %broadcast_in_dim3A_297, %broadcast_in_dim3A_332, %broadcast_in_dim3A_367, %broadcast_in_dim3A_402, %broadcast_in_dim3A_437, %broadcast_in_dim3A_472, %broadcast_in_dim3A_507, %broadcast_in_dim3A_542, %broadcast_in_dim3A_577, %broadcast_in_dim3A_612, %broadcast_in_dim3A_647, %broadcast_in_dim3A_682, %broadcast_in_dim3A_717, %broadcast_in_dim3A_752, %broadcast_in_dim3A_787, %broadcast_in_dim3A_822, %broadcast_in_dim3A_857, %broadcast_in_dim3A_892, %broadcast_in_dim3A_927, %broadcast_in_dim3A_962, %broadcast_in_dim3A_997, %broadcast_in_dim3A_1032, %broadcast_in_dim3A_1064, %broadcast_in_dim3A_1095, %broadcast_in_dim3A_1125, %broadcast_in_dim3A_1154, %broadcast_in_dim3A_1182, %broadcast_in_dim3A_1209, %broadcast_in_dim3A_1235, %broadcast_in_dim3A_1237, %broadcast_in_dim3A_1239 in 1 : vector<256x1xf32>, vector<256x1xf32>, vector<256x1xf32>, vector<256x1xf32>, vector<256x1xf32>, vector<256x1xf32>, vector<256x1xf32>, vector<256x1xf32>, vector<256x1xf32>, vector<256x1xf32>, vector<256x1xf32>, vector<256x1xf32>, vector<256x1xf32>, vector<256x1xf32>, vector<256x1xf32>, vector<256x1xf32>, vector<256x1xf32>, vector<256x1xf32>, vector<256x1xf32>, vector<256x1xf32>, vector<256x1xf32>, vector<256x1xf32>, vector<256x1xf32>, vector<256x1xf32>, vector<256x1xf32>, vector<256x1xf32>, vector<256x1xf32>, vector<256x1xf32>, vector<256x1xf32>, vector<256x1xf32>, vector<256x1xf32>, vector<256x1xf32> -> vector<256x32xf32>
    %convert_element_type3A_1240 = arith.fptosi %concatenate3A : vector<256x32xf32> to vector<256x32xi32>
    %swap3A = arith.constant 0 : index
    %swap3A_1241 = arith.constant 0 : index
    %swap3A_1242 = arith.constant 0 : index
    %swap3A_1243 = vector.load %arg4[%swap3A, %swap3A_1241, %swap3A_1242] : memref<1x256x32xi32, #tpu.memory_space<vmem>>, vector<1x256x32xi32>
    %swap3A_1244 = vector.shape_cast %swap3A_1243 : vector<1x256x32xi32> to vector<256x32xi32>
    %swap3A_1245 = vector.shape_cast %convert_element_type3A_1240 : vector<256x32xi32> to vector<1x256x32xi32>
    tpu.vector_store %arg4[%swap3A, %swap3A_1241, %swap3A_1242], %swap3A_1245 {strides = array<i32>} : memref<1x256x32xi32, #tpu.memory_space<vmem>>, vector<1x256x32xi32>,
    return
  }
  func.func @transform_0(%arg0: i32, %arg1: i32) -> (i32, i32, i32) {
    %c0_i32 = arith.constant 0 : i32
    %c0_i32_0 = arith.constant 0 : i32
    return %arg0, %arg1, %c0_i32 : i32, i32, i32
  }
  func.func @transform_1(%arg0: i32, %arg1: i32) -> (i32, i32, i32) {
    %c0_i32 = arith.constant 0 : i32
    %c0_i32_0 = arith.constant 0 : i32
    %c0_i32_1 = arith.constant 0 : i32
    return %arg0, %c0_i32, %c0_i32_0 : i32, i32, i32
  }
  func.func @transform_2(%arg0: i32, %arg1: i32) -> (i32, i32, i32) {
    %c0_i32 = arith.constant 0 : i32
    %c0_i32_0 = arith.constant 0 : i32
    return %arg0, %arg1, %c0_i32 : i32, i32, i32
  }
}

</mosaic_0001>

<sc_bundles>
// kernel: kernel.4.cloned.1.call-start
scs
__scs_entry_jumppad:
0x0: {  	(pc) =	sbr.rel $0x88, $3  }
0x1: {  	(tag) =	ssettag $0x0;
	lr =	simm.s32 $0x1  }
0x2: {  	[smem:$0x3FA0] =	sst lr;
	_ =	strace $0xD0000000  }
0x3: {  	_ = 	snop  }
0x4: {  	_ = 	snop  }
0x5: {  	_ = 	snop  }
0x6: {  	_ = 	snop  }
0x7: {  	_ = 	snop  }
__scs_overlays_trampoline_lowered:
0x8: {  	[smem:$0x3FAF] =	sst s0  }
0x9: {  	[smem:$0x3FB0] =	sst s1  }
0xa: {  	[smem:$0x3FB1] =	sst s2  }
0xb: {  	[smem:$0x3FB2] =	sst s3  }
0xc: {  	[smem:$0x3FB3] =	sst s4  }
0xd: {  	[smem:$0x3FB4] =	sst s5  }
0xe: {  	[smem:$0x3FB5] =	sst s6  }
0xf: {  	[smem:$0x3FB6] =	sst s7  }
0x10: {  	[smem:$0x3FB7] =	sst s8  }
0x11: {  	[smem:$0x3FB8] =	sst s9;
	s0 =	simm.s32 @!p0 $0x0  }
0x12: {  	s1 =	sld [smem:$0x3F9E];
	s0 =	simm.s32 @p0 $0x1  }
0x13: {  	[smem:$0x3FB9] =	sst s0;
	s0 =	simm.s32 @!p1 $0x0  }
0x14: {  	s2 =	sld [smem:$0x3F9D];
	s0 =	simm.s32 @p1 $0x1  }
0x15: {  	[smem:$0x3FBA] =	sst s0;
	s0 =	simm.s32 @!p2 $0x0  }
0x16: {  	s3 =	sld [smem:$0x3FDB];
	s0 =	simm.s32 @p2 $0x1  }
0x17: {  	s4 =	simm.s32 $0x1BF5;
	[smem:$0x3FBC] =	sst s0  }
0x18: {  	s0 =	sld [smem:$0x3F9F];
	_ =	swait.ge [sflag:s4], $0x0  }
0x19: {  	s7 =	sld [smem:$0x3FA0]  }
0x1a: {  	s8 =	sadd.s32 $0xFFFFE003, lr  }
0x1b: {  	s9 =	sadd.s32 $0xFFFFFEF7, lr;
	s5 =	simm.s32 $0xFFFFFFFF;
	p2 =	slt.u32 s8, $0xFFFFF086  }
0x1c: {  	p1 =	slt.u32 s9, $0xF7A;
	s5 =	simm.s32 @!p2 $0x0  }
0x1d: {  	s5 =	simm.s32 @p1 $0x1;
	p0 =	seq.s32 s7, s2  }
0x1e: {  	s7 =	smul.u32 @!p0 $0xF7A, s2;
	p2 =	seq.s32 @!p0 s5, $0x0  }
0x1f: {  	s9 =	smul.u32 $0xF7A, s1;
	s8 =	simm.s32 @!p0 $0x1BF5;
	p2 =	por !p2, p0  }
0x20: {  	[sflag:s8] =	ssyncset.s32 @!p0 $0xFFFFF086;
	s6 =	sadd.s32 @!p0 s3, s7;
	s7 =	simm.s32 @!p0 $0x108  }
0x21: {  	s3 =	sadd.s32 s3, s9;
	s6 =	sadd.s32 @!p0 $0x88, s6;
	s7 =	simm.s32 @p2 $0x1082  }
0x22: {  	[simem:s7], [sflag:s8] =	dma.local @!p0 [hbm:s6], $0xF7A  }
0x23: {  	s9 =	sor.u32 $0xD0000000, s2;
	s6 =	simm.s32 $0x108;
	_ =	swait.ge @!p0 [sflag:s8], $0x0  }
0x24: {  	s3 =	sadd.s32 $0x88, s3;
	s6 =	simm.s32 @!p1 $0x1082;
	[sflag:s4] =	ssyncset.s32 $0xFFFFF086  }
0x25: {  	[simem:s6], [sflag:s4] =	dma.local [hbm:s3], $0xF7A  }
0x26: {  	[smem:$0x3FA0] =	sst s1;
	(tag) =	ssettag s2;
	_ =	strace s9  }
0x27: {  	s1 =	sld [smem:$0x3FB0]  }
0x28: {  	s2 =	sld [smem:$0x3FB1]  }
0x29: {  	s4 =	sld [smem:$0x3FB3]  }
0x2a: {  	p0 =	seq.s32 s5, $0x0;
	s5 =	sld [smem:$0x3FB4]  }
0x2b: {  	s6 =	sld [smem:$0x3FB5]  }
0x2c: {  	s7 =	sld [smem:$0x3FB6]  }
0x2d: {  	s3 =	simm.s32 $0x108;
	s8 =	sld [smem:$0x3FB7]  }
0x2e: {  	s3 =	simm.s32 @!p0 $0x1082;
	s9 =	sld [smem:$0x3FB8]  }
0x2f: {  	lr =	sadd.s32 s0, s3;
	s0 =	sld [smem:$0x3FAF]  }
0x30: {  	s3 =	sld [smem:$0x3FB2]  }
0x31: {  	[smem:$0x3FBB] =	sst s10  }
0x32: {  	s10 =	sld [smem:$0x3FB9];
	_ =	sdelay $0x3  }
0x33: {  	p0 =	seq.s32 s10, $0x1;
	s10 =	sld [smem:$0x3FBB];
	_ =	sdelay $0x3  }
0x34: {  	[smem:$0x3FBB] =	sst s10  }
0x35: {  	s10 =	sld [smem:$0x3FBA];
	_ =	sdelay $0x3  }
0x36: {  	p1 =	seq.s32 s10, $0x1;
	s10 =	sld [smem:$0x3FBB];
	_ =	sdelay $0x3  }
0x37: {  	[smem:$0x3FBB] =	sst s10  }
0x38: {  	s10 =	sld [smem:$0x3FBC]  }
0x39: {  	_ = 	snop;
	(pc) =	sbr.ind lr, $3  }
0x3a: {  	_ = 	snop  }
0x3b: {  	_ = 	snop  }
0x3c: {  	p2 =	seq.s32 s10, $0x1;
	s10 =	sld [smem:$0x3FBB]  }
0x3d: {  	_ =	shalt  }
0x3e: {  	_ =	shalt  }
0x3f: {  	_ =	shalt  }
0x40: {  	_ =	shalt  }
0x41: {  	_ =	shalt  }
0x42: {  	_ =	shalt  }
0x43: {  	_ =	shalt  }
0x44: {  	_ =	shalt  }
0x45: {  	_ =	shalt  }
0x46: {  	_ =	shalt  }
0x47: {  	_ =	shalt  }
0x48: {  	_ =	shalt  }
0x49: {  	_ =	shalt  }
0x4a: {  	_ =	shalt  }
0x4b: {  	_ =	shalt  }
0x4c: {  	_ =	shalt  }
0x4d: {  	_ =	shalt  }
0x4e: {  	_ =	shalt  }
0x4f: {  	_ =	shalt  }
0x50: {  	_ =	shalt  }
0x51: {  	_ =	shalt  }
0x52: {  	_ =	shalt  }
0x53: {  	_ =	shalt  }
0x54: {  	_ =	shalt  }
0x55: {  	_ =	shalt  }
0x56: {  	_ =	shalt  }
0x57: {  	_ =	shalt  }
0x58: {  	_ =	shalt  }
0x59: {  	_ =	shalt  }
0x5a: {  	_ =	shalt  }
0x5b: {  	_ =	shalt  }
0x5c: {  	_ =	shalt  }
0x5d: {  	_ =	shalt  }
0x5e: {  	_ =	shalt  }
0x5f: {  	_ =	shalt  }
0x60: {  	_ =	shalt  }
0x61: {  	_ =	shalt  }
0x62: {  	_ =	shalt  }
0x63: {  	_ =	shalt  }
0x64: {  	_ =	shalt  }
0x65: {  	_ =	shalt  }
0x66: {  	_ =	shalt  }
0x67: {  	_ =	shalt  }
0x68: {  	_ =	shalt  }
0x69: {  	_ =	shalt  }
0x6a: {  	_ =	shalt  }
0x6b: {  	_ =	shalt  }
0x6c: {  	_ =	shalt  }
0x6d: {  	_ =	shalt  }
0x6e: {  	_ =	shalt  }
0x6f: {  	_ =	shalt  }
0x70: {  	_ =	shalt  }
0x71: {  	_ =	shalt  }
0x72: {  	_ =	shalt  }
0x73: {  	_ =	shalt  }
0x74: {  	_ =	shalt  }
0x75: {  	_ =	shalt  }
0x76: {  	_ =	shalt  }
0x77: {  	_ =	shalt  }
0x78: {  	_ =	shalt  }
0x79: {  	_ =	shalt  }
0x7a: {  	_ =	shalt  }
0x7b: {  	_ =	shalt  }
0x7c: {  	_ =	shalt  }
0x7d: {  	_ =	shalt  }
0x7e: {  	_ =	shalt  }
0x7f: {  	_ =	shalt  }
0x80: {  	_ =	shalt  }
0x81: {  	_ =	shalt  }
0x82: {  	_ =	shalt  }
0x83: {  	_ =	shalt  }
0x84: {  	_ =	shalt  }
0x85: {  	_ =	shalt  }
0x86: {  	_ =	shalt  }
0x87: {  	_ =	shalt  }
.Lfunc_end0:
.L_simem_size_0:
called_computation_lowered:
.L_overlay_start_0:
0x88: {  	s2 =	sld [smem:$0x3FD9]  }
0x89: {  	s3 =	sld [smem:$0x3FFE];
	_ =	sdelay $0x1  }
0x8a: {  	s1 =	srdreg.scid  }
0x8b: {  	s0 =	sand.u32 $0x1, s1  }
0x8c: {  	s14 =	sshll.u32 s0, $0xA;
	s2 =	sadd.s32 s3, s2  }
0x8d: {  	s2 =	sadd.s32 s2, s14  }
0x8e: {  	[smem:$0x3FC7] =	sst s2  }
0x8f: {  	_ = 	snop  }
0x90: {  	s2 =	sld [smem:$0x3FD0];
	_ =	sdelay $0x2  }
0x91: {  	s15 =	simm.s32 $0xA;
	s4 =	simm.s32 $0x10  }
0x92: {  	[smem:s4], [sflag:s15] =	dma.local [hbm:s2], $0x1  }
0x93: {  	_ =	swait.eq [sflag:s15], $0x1  }
0x94: {  	[sflag:s15] =	ssyncset.done $0x0  }
0x95: {  	s16 =	sld [smem:$0x10];
	[sflag:s15] =	ssyncadd.s32 $0xFFFFFFFF  }
0x96: {  	s17 =	sld [smem:$0x11];
	(tm) =	ssettm $0x1  }
0x97: {  	s18 =	sld [smem:$0x3FFB];
	_ =	sdelay $0x3  }
0x98: {  	_ =	strace s18  }
0x99: {  	s4 =	sld [smem:$0x3FFC];
	_ =	sdelay $0x3  }
0x9a: {  	_ =	strace s4  }
0x9b: {  	s4 =	sld [smem:$0x3FFD];
	_ =	sdelay $0x3  }
0x9c: {  	_ =	strace s4  }
0x9d: {  	_ =	strace $0x8FFFFFFF  }
0x9e: {  	s19 =	sld [smem:$0x3FDB];
	_ =	sdelay $0x1  }
0x9f: {  	s5 =	simm.s32 $_scs_section_size  }
0xa0: {  	s6 =	simm.s32 $_size__tile_overlayer_lowered;
	s7 =	simm.s32 $_tile_overlayer_lowered  }
0xa1: {  	s22 =	simm.s32 $0x1BFF;
	s21 =	sshll.u32 s7, $0x1;
	s4 =	sadd.s32 s5, s19  }
0xa2: {  	s8 =	simm.s32 $0x0;
	s20 =	sshll.u32 s6, $0x1;
	s6 =	sadd.s32 s21, s4  }
0xa3: {  	[timem:s8], [sflag:s22] =	dma.local [hbm:s6], s20  }
0xa4: {  	_ =	swait.ge [sflag:s22], s20  }
0xa5: {  	s5 =	ssub.s32 $0x0, s20;
	[sflag:s22] =	ssyncset.done $0x0  }
0xa6: {  	[sflag:s22] =	ssyncadd.s32 s5;
	_ =	sdelay $0x1  }
0xa7: {  	s23 =	simm.s32 $0x1B8B  }
0xa8: {  	_ =	swait.ge [sflag:s23], $0x1  }
0xa9: {  	[sflag:s23] =	ssyncset.done $0x0  }
0xaa: {  	s25 =	simm.s32 $0x1B8E;
	s24 =	sld [smem:$0x3FFE];
	[sflag:s23] =	ssyncadd.s32 $0xFFFFFFFF  }
0xab: {  	s26 =	simm.s32 $execute0_lowered;
	[smem:$0x3FD2] =	sst s25  }
0xac: {  	s6 =	sshll.u32 s26, $0x1;
	_ =	strace $0x80000046;
	[dreg:$0x1] =	wrdreg $0xFFFFFFFF  }
0xad: {  	s28 =	simm.s32 $_size_execute0_lowered;
	s4 =	sadd.s32 s4, s6;
	[dreg:$0x0] =	wrdreg $0x0  }
0xae: {  	s6 =	sshll.u32 s28, $0x1;
	[dreg:$0x2] =	wrdreg s4  }
0xaf: {  	[dreg:$0x3] =	wrdreg s6  }
0xb0: {  	[dreg:$0x4] =	wrdreg $0xC0  }
0xb1: {  	_ =	task [dreg:s8], $0x5FFFF  }
0xb2: {  	[dreg:$0x1] =	wrdreg $0xFFFFFFFF  }
0xb3: {  	[dreg:$0x0] =	wrdreg $0x60  }
0xb4: {  	[dreg:$0x2] =	wrdreg s16  }
0xb5: {  	[dreg:$0x3] =	wrdreg s17  }
0xb6: {  	[dreg:$0x4] =	wrdreg s24  }
0xb7: {  	[dreg:$0x5] =	wrdreg $0x9  }
0xb8: {  	_ =	task.clear_ibuf [dreg:s8], $0x6FFFF;
	_ =	strace $0x90000046  }
0xb9: {  	s29 =	simm.s32 $0x9;
	_ =	strace $0x80000048  }
0xba: {  	_ =	swait.ge [sflag:s29], $0x1  }
0xbb: {  	[sflag:s29] =	ssyncadd.s32 $0xFFFFFFFF  }
0xbc: {  	_ =	strace $0x90000048  }
0xbd: {  	_ =	sfence  }
0xbe: {  	s30 =	sld [smem:$0x0];
	_ =	sdelay $0x2  }
0xbf: {  	s31 =	sshll.u32 s1, $0xD;
	s1 =	sshrl.u32 s1, $0x2  }
0xc0: {  	s3 =	sand.u32 $0x4000, s31;
	s1 =	sadd.s32 s1, s30  }
0xc1: {  	s0 =	sor.u32 s3, s0;
	s1 =	sshll.u32 s1, $0x11  }
0xc2: {  	s0 =	sor.u32 s1, s0  }
0xc3: {  	s0 =	sadd.s32 $0x8F2B, s0  }
0xc4: {  	[sflag:s0] =	ssyncadd.remote.s32 $0x1  }
0xc5: {  	_ =	sfence.sel $0xFFFF  }
0xc6: {  	[dreg:$0x0] =	wrdreg $0xFFFFFFFF;
	(pc) =	sbr.abs _section_cstart, $3  }
0xc7: {  	[dreg:$0x1] =	wrdreg $0xFFFFFFFF  }
0xc8: {  	_ =	task.clear_ibuf [dreg:s8], $0x2FFFF;
	_ =	strace $0x9FFFFFFF  }
0xc9: {  	(tm) =	ssettm $0x7FFFFFFF  }
tec
execute0_lowered:
.L_overlay_start_1:
0x0: {  	(tag) =	ssettag $0x1  }
0x1: {  	s6 =	rddreg [dreg:$0x0]  }
0x2: {  	s1 =	rddreg [dreg:$0x1]  }
0x3: {  	s4 =	rddreg [dreg:$0x2]  }
0x4: {  	s0 =	rddreg [dreg:$0x3];
	s3 =	simm.s32 $0x0  }
0x5: {  	s5 =	srdreg.scid;
	s2 =	stileid.u32;
	s14 =	simm.s32 $0x1000  }
0x6: {  	s15 =	simm.s32 $0x1800;
	s16 =	simm.s32 $0x2000;
	s17 =	simm.s32 $0x0  }
0x7: {  	[smem:$0x7FF] =	sst s3;
	s9 =	sand.u32 $0x1, s5;
	s10 =	sshrl.u32 s2, $0x1  }
0x8: {  	s7 =	sshll.u32 s2, $0x1;
	s4 =	sadd.s32 $0x600, s4;
	s31 =	sand.u32 $0x1, s2  }
0x9: {  	_ =	strace $0x80000047;
	s5 =	ssub.s32 $0x2, s9;
	s8 =	smul.u32 $0x1800, s10  }
0xa: {  	s7 =	sand.u32 $0x2, s7;
	s12 =	smul.u32 $0x300, s10;
	s13 =	sshll.u32 s9, $0x9  }
0xb: {  	s11 =	sshrl.u32 s5, $0x1;
	s7 =	sor.u32 s9, s7;
	s9 =	sshll.u32 s10, $0xB  }
0xc: {  	s8 =	sshrl.u32 s8, $0x3;
	s11 =	ssub.s32 s5, s11;
	s5 =	sshll.u32 s7, $0x9  }
0xd: {  	s8 =	sadd.s32 s6, s8;
	s6 =	sadd.s32 s6, s12;
	s12 =	sshll.u32 s31, $0xA  }
0xe: {  	s10 =	smax.u32 s11, $0x1;
	s7 =	sadd.s32 $0x100, s8;
	s8 =	sadd.s32 $0x200, s8  }
0xf: {  	s11 =	sor.u32 s13, s12;
	s12 =	simm.s32 $0x1;
	s13 =	simm.s32 $0x800  }
.LBB2_1:
0x10: {  	[tilespmem:s3], [sflag:$0x1] =	stream.linear.gather [hbm4b:s6+s3], $0x800, $0x38;
	[tilespmem:$0x6800] =	vst v63  }
0x11: {  	_ =	swait.ge [sflag:s12], $0x800  }
0x12: {  	[sflag:s12] =	ssyncset.done $0x0  }
0x13: {  	[sflag:s12] =	ssyncadd.s32 $0xFFFFF800  }
0x14: {  	[tilespmem:s13], [sflag:$0x1] =	stream.linear.gather [hbm4b:s7+s3], $0x800, $0x38;
	[tilespmem:$0x6800] =	vst v63  }
0x15: {  	_ =	swait.ge [sflag:s12], $0x800  }
0x16: {  	[sflag:s12] =	ssyncset.done $0x0  }
0x17: {  	[sflag:s12] =	ssyncadd.s32 $0xFFFFF800  }
0x18: {  	[tilespmem:s14], [sflag:$0x1] =	stream.linear.gather [hbm4b:s8+s3], $0x800, $0x38;
	[tilespmem:$0x6800] =	vst v63  }
0x19: {  	_ =	swait.ge [sflag:s12], $0x800  }
0x1a: {  	[sflag:s12] =	ssyncset.done $0x0  }
0x1b: {  	s18 =	smov.u32 s11;
	s19 =	simm.s32 $0x0;
	[sflag:s12] =	ssyncadd.s32 $0xFFFFF800  }
.LBB2_2:
0x1c: {  	s20 =	sshll.u32 s19, $0x6  }
0x1d: {  	s20 =	sadd.s32 s5, s20  }
0x1e: {  	s20 =	sadd.s32 s9, s20  }
0x1f: {  	s21 =	sshll.u32 s20, $0x2  }
0x20: {  	s22 =	sadd.s32 s1, s21;
	s21 =	simm.s32 $0x0  }
0x21: {  	[tilespmem:s15], [sflag:$0x1] =	stream.linear.gather [hbm4b:s22+s21], $0x800, $0x38;
	[tilespmem:$0x6800] =	vst v63  }
0x22: {  	_ =	swait.ge [sflag:s12], $0x800  }
0x23: {  	[sflag:s12] =	ssyncset.done $0x0  }
0x24: {  	s23 =	simm.s32 $0x1810;
	s22 =	simm.s32 $0x2090;
	[sflag:s12] =	ssyncadd.s32 $0xFFFFF800  }
.LBB2_3:
0x25: {  	s24 =	sadd.s32 s21, s18;
	v0 =	vld [tilespmem:s23+$0xFFFFFFF0]  }
0x26: {  	v1 =	vmov s24;
	_ =	sdelay $0x4  }
0x27: {  	v2 =	vld.idx.msk [tilespmem:v1+s3+$0x0], $0xffff  }
0x28: {  	v3 =	vld.idx.msk [tilespmem:v1+s13+$0x0], $0xffff  }
0x29: {  	v4 =	vld.idx.msk [tilespmem:v0+s3+$0x0], $0xffff  }
0x2a: {  	v5 =	vld.idx.msk [tilespmem:v0+s13+$0x0], $0xffff  }
0x2b: {  	v1 =	vld.idx.msk [tilespmem:v1+s14+$0x0], $0xffff  }
0x2c: {  	v0 =	vld.idx.msk [tilespmem:v0+s14+$0x0], $0xffff;
	_ =	sdelay $0x2  }
0x2d: {  	v4 =	vsub.f32 v4, v2;
	v5 =	vsub.f32 v5, v3;
	_ =	sdelay $0x1  }
0x2e: {  	v0 =	vsub.f32 v0, v1;
	v6 =	vmul.f32 v4, v4;
	v7 =	vmul.f32 v5, v5;
	_ =	sdelay $0x1  }
0x2f: {  	v58 =	vmul.f32 v0, v0;
	v6 =	vadd.f32 v7, v6;
	_ =	sdelay $0x1  }
0x30: {  	v6 =	vadd.f32 v58, v6;
	_ =	sdelay $0x1  }
0x31: {  	v7 =	vshra.s32 v6, $0x1;
	v8 =	vmul.f32 $5.000000000e-01, v6  }
0x32: {  	v7 =	vsub.s32 $0x5F3759DF, v7  }
0x33: {  	v9 =	vmul.f32 v7, v8;
	_ =	sdelay $0x1  }
0x34: {  	v9 =	vmul.f32 v7, v9;
	_ =	sdelay $0x1  }
0x35: {  	v9 =	vsub.f32 $1.500000000e+00, v9;
	_ =	sdelay $0x1  }
0x36: {  	v7 =	vmul.f32 v7, v9;
	_ =	sdelay $0x1  }
0x37: {  	v9 =	vmul.f32 v7, v8;
	_ =	sdelay $0x1  }
0x38: {  	v9 =	vmul.f32 v9, v7;
	_ =	sdelay $0x1  }
0x39: {  	v9 =	vsub.f32 $1.500000000e+00, v9;
	_ =	sdelay $0x1  }
0x3a: {  	v7 =	vmul.f32 v9, v7;
	_ =	sdelay $0x1  }
0x3b: {  	v8 =	vmul.f32 v7, v8;
	_ =	sdelay $0x1  }
0x3c: {  	v8 =	vmul.f32 v8, v7;
	_ =	sdelay $0x1  }
0x3d: {  	v8 =	vsub.f32 $1.500000000e+00, v8;
	_ =	sdelay $0x1  }
0x3e: {  	v7 =	vmul.f32 v8, v7;
	_ =	sdelay $0x1  }
0x3f: {  	v6 =	vmul.f32 v7, v6;
	_ =	sdelay $0x1  }
0x40: {  	v6 =	vadd.f32 $9.999999930e-09, v6;
	_ =	sdelay $0x1  }
0x41: {  	(erf) = vrcp.f32 v6;
	_ =	sdelay $0x5  }
0x42: {  	[tilespmem:s22+$0x30] =	vst v2  }
0x43: {  	[tilespmem:s22+$0x50] =	vst v3  }
0x44: {  	[tilespmem:s22+$0x70] =	vst v1  }
0x45: {  	[tilespmem:s22+$0xFFFFFF70] =	vst v4;
	v6 =	vpop (erf)  }
0x46: {  	[tilespmem:s22+$0xFFFFFF90] =	vst v5;
	v4 =	vmul.f32 v6, v4  }
0x47: {  	[tilespmem:s22+$0xFFFFFFB0] =	vst v0;
	v5 =	vmul.f32 v6, v5  }
0x48: {  	v0 =	vmul.f32 v6, v0;
	[tilespmem:s22+$0xFFFFFFD0] =	vst v4  }
0x49: {  	[tilespmem:s22+$0xFFFFFFF0] =	vst v5  }
0x4a: {  	[tilespmem:s22+$0x10] =	vst v0  }
0x4b: {  	v0 =	vld [tilespmem:s23+$0x0];
	_ =	sdelay $0x7  }
0x4c: {  	v4 =	vld.idx.msk [tilespmem:v0+s3+$0x0], $0xffff  }
0x4d: {  	v5 =	vld.idx.msk [tilespmem:v0+s13+$0x0], $0xffff;
	_ =	sdelay $0x1  }
0x4e: {  	v0 =	vld.idx.msk [tilespmem:v0+s14+$0x0], $0xffff;
	_ =	sdelay $0x2  }
0x4f: {  	v4 =	vsub.f32 v4, v2;
	v5 =	vsub.f32 v5, v3;
	_ =	sdelay $0x1  }
0x50: {  	v0 =	vsub.f32 v0, v1;
	v59 =	vmul.f32 v4, v4;
	v60 =	vmul.f32 v5, v5;
	_ =	sdelay $0x1  }
0x51: {  	v61 =	vmul.f32 v0, v0;
	v6 =	vadd.f32 v60, v59;
	_ =	sdelay $0x1  }
0x52: {  	v6 =	vadd.f32 v61, v6;
	_ =	sdelay $0x1  }
0x53: {  	v7 =	vshra.s32 v6, $0x1;
	v62 =	vmul.f32 $5.000000000e-01, v6  }
0x54: {  	v7 =	vsub.s32 $0x5F3759DF, v7  }
0x55: {  	v63 =	vmul.f32 v7, v62;
	_ =	sdelay $0x1  }
0x56: {  	v9 =	vmul.f32 v7, v63;
	_ =	sdelay $0x1  }
0x57: {  	v9 =	vsub.f32 $1.500000000e+00, v9;
	_ =	sdelay $0x1  }
0x58: {  	v7 =	vmul.f32 v7, v9;
	_ =	sdelay $0x1  }
0x59: {  	v9 =	vmul.f32 v7, v62;
	_ =	sdelay $0x1  }
0x5a: {  	v9 =	vmul.f32 v9, v7;
	_ =	sdelay $0x1  }
0x5b: {  	v9 =	vsub.f32 $1.500000000e+00, v9;
	_ =	sdelay $0x1  }
0x5c: {  	v7 =	vmul.f32 v9, v7;
	_ =	sdelay $0x1  }
0x5d: {  	v8 =	vmul.f32 v7, v62;
	_ =	sdelay $0x1  }
0x5e: {  	v8 =	vmul.f32 v8, v7;
	_ =	sdelay $0x1  }
0x5f: {  	v8 =	vsub.f32 $1.500000000e+00, v8;
	_ =	sdelay $0x1  }
0x60: {  	v7 =	vmul.f32 v8, v7;
	_ =	sdelay $0x1  }
0x61: {  	v6 =	vmul.f32 v7, v6;
	_ =	sdelay $0x1  }
0x62: {  	v6 =	vadd.f32 $9.999999930e-09, v6;
	_ =	sdelay $0x1  }
0x63: {  	(erf) = vrcp.f32 v6;
	_ =	sdelay $0x5  }
0x64: {  	[tilespmem:s22+$0x40] =	vst v2  }
0x65: {  	[tilespmem:s22+$0x60] =	vst v3  }
0x66: {  	[tilespmem:s22+$0x80] =	vst v1  }
0x67: {  	p0 =	sne.s32 s21, $0x3F;
	[tilespmem:s22+$0xFFFFFF80] =	vst v4;
	v6 =	vpop (erf)  }
.Ltmp0:
0x68: {  	[tilespmem:s22+$0xFFFFFFA0] =	vst v5;
	v4 =	vmul.f32 v6, v4;
	(pc) =	sbr.rel @p0 .LBB2_3-.Ltmp0, $4  }
0x69: {  	[tilespmem:s22+$0xFFFFFFC0] =	vst v0;
	v5 =	vmul.f32 v6, v5  }
0x6a: {  	v0 =	vmul.f32 v6, v0;
	[tilespmem:s22+$0xFFFFFFE0] =	vst v4  }
0x6b: {  	[tilespmem:s22+$0x0] =	vst v5  }
0x6c: {  	s21 =	sadd.s32 $0x1, s21;
	s23 =	sadd.s32 $0x20, s23;
	[tilespmem:s22+$0x20] =	vst v0;
	s22 =	sadd.s32 $0x120, s22  }
0x6d: {  	s20 =	smul.u32 $0x24, s20;
	s19 =	sadd.s32 $0x1, s19  }
0x6e: {  	p0 =	sne.s32 s19, $0x8  }
.Ltmp1:
0x6f: {  	s20 =	sadd.s32 s4, s20;
	(pc) =	sbr.rel @p0 .LBB2_2-.Ltmp1, $4  }
0x70: {  	[hbm4b:s20+s3] =	stream.linear.scatter [tilespmem:s16], [sflag:$0x1], $0x4800, $0x38;
	[tilespmem:$0x6800] =	vst v63  }
0x71: {  	_ =	swait.ge [sflag:s12], $0x4800  }
0x72: {  	[sflag:s12] =	ssyncset.done $0x0  }
0x73: {  	s18 =	sadd.s32 $0x40, s18;
	[sflag:s12] =	ssyncadd.s32 $0xFFFFB800  }
0x74: {  	s17 =	sadd.s32 $0x1, s17  }
0x75: {  	p0 =	sne.s32 s17, s10  }
.Ltmp2:
0x76: {  	_ = 	snop;
	(pc) =	sbr.rel @p0 .LBB2_1-.Ltmp2, $1  }
0x77: {  	_ =	sdelay $0x3  }
0x78: {  	_ =	sfence.sel $0x180000  }
0x79: {  	[bflag:$0x0] =	sbarrier.arrive $0xFFFF  }
0x7a: {  	p0 =	sne.s32 s2, $0x0;
	_ =	strace $0x90000047  }
0x7b: {  	s0 =	sadd.s32 @!p0 $0x100000, s0;
	[bflag:$0x2] =	sbarrier.arrive $0xFFFF  }
0x7c: {  	[sflag:s0] =	ssyncadd.tile.s32 @!p0 $0x1;
	_ =	shalt  }
.Lfunc_end2:
_tile_overlayer_lowered:
.L_overlay_start_2:
0x7d: {  	(tag) =	ssettag $0x2  }
0x7e: {  	s0 =	rddreg [dreg:$0x0];
	s2 =	stileid.u32  }
0x7f: {  	s1 =	rddreg [dreg:$0x1];
	p0 =	sne.s32 s2, $0x0  }
0x80: {  	s3 =	rddreg [dreg:$0x2];
	[bflag:$0x3] =	sbarrier.arrive $0xFFFF;
	s2 =	simm.s32 @!p0 $0x1C01  }
0x81: {  	[timem:s3], [sflag:s2] =	dma.local @!p0 [hbm:s0], s1  }
0x82: {  	s0 =	simm.s32 @!p0 $0x1  }
0x83: {  	_ =	swait.ge @!p0 [sflag:s0], s1  }
0x84: {  	s1 =	ssub.s32 @!p0 $0x0, s1;
	[sflag:s0] =	ssyncset.done @!p0 $0x0  }
0x85: {  	[sflag:s0] =	ssyncadd.s32 @!p0 s1  }
0x86: {  	[bflag:$0x3] =	sbarrier.arrive $0xFFFF  }
0x87: {  	_ =	shalt  }

</sc_bundles>
